<compile_context>
chip_gen: v7x
topology: tpu7x:2x2x1
jax: 0.10.2.dev20260603
libtpu: 0.0.44.dev20260713+nightly
codegen_flags: <defaults>
</compile_context>

<pallas_src>
import dataclasses
import functools

import jax
import jax.numpy as jnp
from jax import lax
from jax.experimental import pallas as pl
from jax.experimental.pallas import tpu as pltpu
from jax.experimental.pallas import tpu_sc as plsc

NOTES = 88
LANES = 16
NUM_CORES = 2
NUM_SUBCORES = 16
NUM_WORKERS = NUM_CORES * NUM_SUBCORES
BLK = 16


@functools.partial(jax.jit, static_argnums=(1, 2))
def _multi_hot_sc(idx, batch, seq):
    rows_pw = batch // NUM_WORKERS

    mesh = plsc.VectorSubcoreMesh(core_axis_name="c", subcore_axis_name="s")

    cp = pltpu.CompilerParams()
    if "needs_layout_passes" in pltpu.CompilerParams.__dataclass_fields__:
        cp = dataclasses.replace(cp, needs_layout_passes=False)

    @functools.partial(
        pl.kernel,
        out_type=jax.ShapeDtypeStruct((batch, NOTES), jnp.float32),
        mesh=mesh,
        compiler_params=cp,
        scratch_types=[
            pltpu.VMEM((rows_pw, seq), jnp.int32),
            pltpu.VMEM((rows_pw, NOTES), jnp.float32),
            pltpu.SemaphoreType.DMA,
            pltpu.SemaphoreType.DMA,
        ],
    )
    def k(idx_hbm, out_hbm, idx_v, acc_v, sem_in, sem_out):
        wid = lax.axis_index("s") * NUM_CORES + lax.axis_index("c")
        row0 = wid * rows_pw

        for b in range(rows_pw // BLK):
            pltpu.async_copy(
                idx_hbm.at[pl.ds(row0 + b * BLK, BLK)],
                idx_v.at[pl.ds(b * BLK, BLK)],
                sem_in,
            )

        iota = lax.iota(jnp.int32, LANES)
        zeros = jnp.zeros((LANES,), jnp.float32)
        ones = jnp.ones((LANES,), jnp.float32)
        tail_row = iota // 8
        tail_col = 80 + (iota - tail_row * 8)

        @pl.loop(0, rows_pw, step=BLK)
        def _(r):
            pltpu.make_async_copy(
                idx_hbm.at[pl.ds(row0 + r, BLK)],
                idx_v.at[pl.ds(r, BLK)],
                sem_in,
            ).wait()
            rows = r + iota
            notes = [
                plsc.load_gather(idx_v, [rows, jnp.full((LANES,), l, jnp.int32)])
                for l in range(seq)
            ]
            for rr in range(BLK):
                for c in range(0, 80, LANES):
                    acc_v[r + rr, pl.ds(c, LANES)] = zeros
            for rr in range(0, BLK, 2):
                plsc.store_scatter(acc_v, [r + rr + tail_row, tail_col], zeros)
            for l in range(seq):
                plsc.addupdate_scatter(acc_v, [rows, notes[l]], ones)
            pltpu.async_copy(
                acc_v.at[pl.ds(r, BLK)],
                out_hbm.at[pl.ds(row0 + r, BLK)],
                sem_out,
            )

        pltpu.make_async_copy(acc_v, out_hbm.at[pl.ds(row0, rows_pw)], sem_out).wait()

    return k(idx)


def kernel(input, values):
    del values
    batch, seq = input.shape
    return _multi_hot_sc(input, batch, seq)

# --- scband reference (transcript-rebuilt; emitter-appended) ---
"""Pipeline reference for scband-multi-hot-29635274342940 (READ-ONLY COPY).

The authoritative reference and input builder live on the scoring server;
editing this copy changes nothing except your own understanding.
"""

import jax, jax.numpy as jnp
import numpy as np

NOTES_NO = 88
BATCH = 16384
SEQ = 10


def setup_inputs(seed: int = 0) -> dict:
    key = jax.random.key(seed)
    k1, k2 = jax.random.split(key)
    # Ragged list-of-lists modeled as a dense [B, L] index tensor of note ids in [0, 88).
    indices = jax.random.randint(k1, (BATCH, SEQ), 0, NOTES_NO, dtype=jnp.int32)
    # updates = tf.tile([1.0], [len(elem)]) -> a tensor of ones per element
    values = jnp.ones((BATCH, SEQ), dtype=jnp.float32)
    return {"input": indices, "values": values}


def reference(input, values):
    # Faithful translation of the per-element tf.scatter_nd loop:
    # for each row b: out[b] = scatter_nd(indices=input[b], updates=ones, shape=[88])
    # tf.scatter_nd ACCUMULATES duplicate indices, so we use .at[...].add.
    B, L = input.shape
    row_idx = jnp.arange(B, dtype=input.dtype)[:, None]  # [B, 1] broadcasts vs [B, L]
    out = jnp.zeros((B, NOTES_NO), dtype=values.dtype).at[row_idx, input].add(values)
    return out

if __name__ == "__main__":
    import jax
    _d = setup_inputs()
    print(jax.jit(kernel)(*tuple(_d.values())))

</pallas_src>

<mosaic_0001>
#map = affine_map<(d0, d1) -> (0, 0)>
module attributes {stable_mosaic.version = 14 : i64} {
  func.func @k(%arg0: i32, %arg1: i32, %arg2: memref<16384x10xi32, #tpu.memory_space<hbm>>, %arg3: memref<16384x88xf32, #tpu.memory_space<hbm>>, %arg4: memref<512x10xi32, #tpu.memory_space<vmem>>, %arg5: memref<512x88xf32, #tpu.memory_space<vmem>>, %arg6: memref<!tpu.dma_semaphore, #tpu.memory_space<semaphore_mem>>, %arg7: memref<!tpu.dma_semaphore, #tpu.memory_space<semaphore_mem>>) attributes {dimension_semantics = [#tpu.dimension_semantics<core_parallel>, #tpu.dimension_semantics<subcore_parallel>], iteration_bounds = array<i64: 2, 16>, scalar_prefetch = 0 : i64, scratch_operands = 4 : i64, tpu.core_type = #tpu.core_type<sc_vector_subcore>, window_params = [{transform_indices = #map}, {transform_indices = #map}]} {
    %mul3A = arith.constant 2 : i32
    %mul3A_0 = arith.muli %arg1, %mul3A : i32
    %add3A = arith.addi %mul3A_0, %arg0 : i32
    %mul3A_1 = arith.constant 512 : i32
    %mul3A_2 = arith.muli %add3A, %mul3A_1 : i32
    %add3A_3 = arith.constant 0 : i32
    %add3A_4 = arith.addi %mul3A_2, %add3A_3 : i32
    %dma_start3A = arith.constant 0 : i32
    %dma_start3A_5 = arith.constant 0 : i32
    %dma_start3A_6 = tpu.memref_slice %arg4[%dma_start3A, %dma_start3A_5] : memref<512x10xi32, #tpu.memory_space<vmem>> -> memref<16x10xi32, #tpu.memory_space<vmem>>
    %dma_start3A_7 = arith.constant 0 : i32
    %dma_start3A_8 = tpu.memref_slice %arg2[%add3A_4, %dma_start3A_7] : memref<16384x10xi32, #tpu.memory_space<hbm>> -> memref<16x10xi32, #tpu.memory_space<hbm>>
    %dma_start3A_9 = arith.constant 0 : i32
    %dma_start3A_10 = arith.constant 0 : i32
    %dma_start3A_11 = tpu.memref_slice %arg4[%dma_start3A_9, %dma_start3A_10] : memref<512x10xi32, #tpu.memory_space<vmem>> -> memref<16x10xi32, #tpu.memory_space<vmem>>
    %dma_start3A_12 = arith.constant 0 : i32
    %dma_start3A_13 = tpu.memref_slice %arg2[%add3A_4, %dma_start3A_12] : memref<16384x10xi32, #tpu.memory_space<hbm>> -> memref<16x10xi32, #tpu.memory_space<hbm>>
    tpu.enqueue_dma source(%dma_start3A_13 : memref<16x10xi32, #tpu.memory_space<hbm>>) target(%dma_start3A_11 : memref<16x10xi32, #tpu.memory_space<vmem>>) target_semaphore(%arg6 : memref<!tpu.dma_semaphore, #tpu.memory_space<semaphore_mem>>)
    %add3A_14 = arith.constant 16 : i32
    %add3A_15 = arith.addi %mul3A_2, %add3A_14 : i32
    %dma_start3A_16 = arith.constant 16 : i32
    %dma_start3A_17 = arith.constant 0 : i32
    %dma_start3A_18 = tpu.memref_slice %arg4[%dma_start3A_16, %dma_start3A_17] : memref<512x10xi32, #tpu.memory_space<vmem>> -> memref<16x10xi32, #tpu.memory_space<vmem>>
    %dma_start3A_19 = arith.constant 0 : i32
    %dma_start3A_20 = tpu.memref_slice %arg2[%add3A_15, %dma_start3A_19] : memref<16384x10xi32, #tpu.memory_space<hbm>> -> memref<16x10xi32, #tpu.memory_space<hbm>>
    %dma_start3A_21 = arith.constant 16 : i32
    %dma_start3A_22 = arith.constant 0 : i32
    %dma_start3A_23 = tpu.memref_slice %arg4[%dma_start3A_21, %dma_start3A_22] : memref<512x10xi32, #tpu.memory_space<vmem>> -> memref<16x10xi32, #tpu.memory_space<vmem>>
    %dma_start3A_24 = arith.constant 0 : i32
    %dma_start3A_25 = tpu.memref_slice %arg2[%add3A_15, %dma_start3A_24] : memref<16384x10xi32, #tpu.memory_space<hbm>> -> memref<16x10xi32, #tpu.memory_space<hbm>>
    tpu.enqueue_dma source(%dma_start3A_25 : memref<16x10xi32, #tpu.memory_space<hbm>>) target(%dma_start3A_23 : memref<16x10xi32, #tpu.memory_space<vmem>>) target_semaphore(%arg6 : memref<!tpu.dma_semaphore, #tpu.memory_space<semaphore_mem>>)
    %add3A_26 = arith.constant 32 : i32
    %add3A_27 = arith.addi %mul3A_2, %add3A_26 : i32
    %dma_start3A_28 = arith.constant 32 : i32
    %dma_start3A_29 = arith.constant 0 : i32
    %dma_start3A_30 = tpu.memref_slice %arg4[%dma_start3A_28, %dma_start3A_29] : memref<512x10xi32, #tpu.memory_space<vmem>> -> memref<16x10xi32, #tpu.memory_space<vmem>>
    %dma_start3A_31 = arith.constant 0 : i32
    %dma_start3A_32 = tpu.memref_slice %arg2[%add3A_27, %dma_start3A_31] : memref<16384x10xi32, #tpu.memory_space<hbm>> -> memref<16x10xi32, #tpu.memory_space<hbm>>
    %dma_start3A_33 = arith.constant 32 : i32
    %dma_start3A_34 = arith.constant 0 : i32
    %dma_start3A_35 = tpu.memref_slice %arg4[%dma_start3A_33, %dma_start3A_34] : memref<512x10xi32, #tpu.memory_space<vmem>> -> memref<16x10xi32, #tpu.memory_space<vmem>>
    %dma_start3A_36 = arith.constant 0 : i32
    %dma_start3A_37 = tpu.memref_slice %arg2[%add3A_27, %dma_start3A_36] : memref<16384x10xi32, #tpu.memory_space<hbm>> -> memref<16x10xi32, #tpu.memory_space<hbm>>
    tpu.enqueue_dma source(%dma_start3A_37 : memref<16x10xi32, #tpu.memory_space<hbm>>) target(%dma_start3A_35 : memref<16x10xi32, #tpu.memory_space<vmem>>) target_semaphore(%arg6 : memref<!tpu.dma_semaphore, #tpu.memory_space<semaphore_mem>>)
    %add3A_38 = arith.constant 48 : i32
    %add3A_39 = arith.addi %mul3A_2, %add3A_38 : i32
    %dma_start3A_40 = arith.constant 48 : i32
    %dma_start3A_41 = arith.constant 0 : i32
    %dma_start3A_42 = tpu.memref_slice %arg4[%dma_start3A_40, %dma_start3A_41] : memref<512x10xi32, #tpu.memory_space<vmem>> -> memref<16x10xi32, #tpu.memory_space<vmem>>
    %dma_start3A_43 = arith.constant 0 : i32
    %dma_start3A_44 = tpu.memref_slice %arg2[%add3A_39, %dma_start3A_43] : memref<16384x10xi32, #tpu.memory_space<hbm>> -> memref<16x10xi32, #tpu.memory_space<hbm>>
    %dma_start3A_45 = arith.constant 48 : i32
    %dma_start3A_46 = arith.constant 0 : i32
    %dma_start3A_47 = tpu.memref_slice %arg4[%dma_start3A_45, %dma_start3A_46] : memref<512x10xi32, #tpu.memory_space<vmem>> -> memref<16x10xi32, #tpu.memory_space<vmem>>
    %dma_start3A_48 = arith.constant 0 : i32
    %dma_start3A_49 = tpu.memref_slice %arg2[%add3A_39, %dma_start3A_48] : memref<16384x10xi32, #tpu.memory_space<hbm>> -> memref<16x10xi32, #tpu.memory_space<hbm>>
    tpu.enqueue_dma source(%dma_start3A_49 : memref<16x10xi32, #tpu.memory_space<hbm>>) target(%dma_start3A_47 : memref<16x10xi32, #tpu.memory_space<vmem>>) target_semaphore(%arg6 : memref<!tpu.dma_semaphore, #tpu.memory_space<semaphore_mem>>)
    %add3A_50 = arith.constant 64 : i32
    %add3A_51 = arith.addi %mul3A_2, %add3A_50 : i32
    %dma_start3A_52 = arith.constant 64 : i32
    %dma_start3A_53 = arith.constant 0 : i32
    %dma_start3A_54 = tpu.memref_slice %arg4[%dma_start3A_52, %dma_start3A_53] : memref<512x10xi32, #tpu.memory_space<vmem>> -> memref<16x10xi32, #tpu.memory_space<vmem>>
    %dma_start3A_55 = arith.constant 0 : i32
    %dma_start3A_56 = tpu.memref_slice %arg2[%add3A_51, %dma_start3A_55] : memref<16384x10xi32, #tpu.memory_space<hbm>> -> memref<16x10xi32, #tpu.memory_space<hbm>>
    %dma_start3A_57 = arith.constant 64 : i32
    %dma_start3A_58 = arith.constant 0 : i32
    %dma_start3A_59 = tpu.memref_slice %arg4[%dma_start3A_57, %dma_start3A_58] : memref<512x10xi32, #tpu.memory_space<vmem>> -> memref<16x10xi32, #tpu.memory_space<vmem>>
    %dma_start3A_60 = arith.constant 0 : i32
    %dma_start3A_61 = tpu.memref_slice %arg2[%add3A_51, %dma_start3A_60] : memref<16384x10xi32, #tpu.memory_space<hbm>> -> memref<16x10xi32, #tpu.memory_space<hbm>>
    tpu.enqueue_dma source(%dma_start3A_61 : memref<16x10xi32, #tpu.memory_space<hbm>>) target(%dma_start3A_59 : memref<16x10xi32, #tpu.memory_space<vmem>>) target_semaphore(%arg6 : memref<!tpu.dma_semaphore, #tpu.memory_space<semaphore_mem>>)
    %add3A_62 = arith.constant 80 : i32
    %add3A_63 = arith.addi %mul3A_2, %add3A_62 : i32
    %dma_start3A_64 = arith.constant 80 : i32
    %dma_start3A_65 = arith.constant 0 : i32
    %dma_start3A_66 = tpu.memref_slice %arg4[%dma_start3A_64, %dma_start3A_65] : memref<512x10xi32, #tpu.memory_space<vmem>> -> memref<16x10xi32, #tpu.memory_space<vmem>>
    %dma_start3A_67 = arith.constant 0 : i32
    %dma_start3A_68 = tpu.memref_slice %arg2[%add3A_63, %dma_start3A_67] : memref<16384x10xi32, #tpu.memory_space<hbm>> -> memref<16x10xi32, #tpu.memory_space<hbm>>
    %dma_start3A_69 = arith.constant 80 : i32
    %dma_start3A_70 = arith.constant 0 : i32
    %dma_start3A_71 = tpu.memref_slice %arg4[%dma_start3A_69, %dma_start3A_70] : memref<512x10xi32, #tpu.memory_space<vmem>> -> memref<16x10xi32, #tpu.memory_space<vmem>>
    %dma_start3A_72 = arith.constant 0 : i32
    %dma_start3A_73 = tpu.memref_slice %arg2[%add3A_63, %dma_start3A_72] : memref<16384x10xi32, #tpu.memory_space<hbm>> -> memref<16x10xi32, #tpu.memory_space<hbm>>
    tpu.enqueue_dma source(%dma_start3A_73 : memref<16x10xi32, #tpu.memory_space<hbm>>) target(%dma_start3A_71 : memref<16x10xi32, #tpu.memory_space<vmem>>) target_semaphore(%arg6 : memref<!tpu.dma_semaphore, #tpu.memory_space<semaphore_mem>>)
    %add3A_74 = arith.constant 96 : i32
    %add3A_75 = arith.addi %mul3A_2, %add3A_74 : i32
    %dma_start3A_76 = arith.constant 96 : i32
    %dma_start3A_77 = arith.constant 0 : i32
    %dma_start3A_78 = tpu.memref_slice %arg4[%dma_start3A_76, %dma_start3A_77] : memref<512x10xi32, #tpu.memory_space<vmem>> -> memref<16x10xi32, #tpu.memory_space<vmem>>
    %dma_start3A_79 = arith.constant 0 : i32
    %dma_start3A_80 = tpu.memref_slice %arg2[%add3A_75, %dma_start3A_79] : memref<16384x10xi32, #tpu.memory_space<hbm>> -> memref<16x10xi32, #tpu.memory_space<hbm>>
    %dma_start3A_81 = arith.constant 96 : i32
    %dma_start3A_82 = arith.constant 0 : i32
    %dma_start3A_83 = tpu.memref_slice %arg4[%dma_start3A_81, %dma_start3A_82] : memref<512x10xi32, #tpu.memory_space<vmem>> -> memref<16x10xi32, #tpu.memory_space<vmem>>
    %dma_start3A_84 = arith.constant 0 : i32
    %dma_start3A_85 = tpu.memref_slice %arg2[%add3A_75, %dma_start3A_84] : memref<16384x10xi32, #tpu.memory_space<hbm>> -> memref<16x10xi32, #tpu.memory_space<hbm>>
    tpu.enqueue_dma source(%dma_start3A_85 : memref<16x10xi32, #tpu.memory_space<hbm>>) target(%dma_start3A_83 : memref<16x10xi32, #tpu.memory_space<vmem>>) target_semaphore(%arg6 : memref<!tpu.dma_semaphore, #tpu.memory_space<semaphore_mem>>)
    %add3A_86 = arith.constant 112 : i32
    %add3A_87 = arith.addi %mul3A_2, %add3A_86 : i32
    %dma_start3A_88 = arith.constant 112 : i32
    %dma_start3A_89 = arith.constant 0 : i32
    %dma_start3A_90 = tpu.memref_slice %arg4[%dma_start3A_88, %dma_start3A_89] : memref<512x10xi32, #tpu.memory_space<vmem>> -> memref<16x10xi32, #tpu.memory_space<vmem>>
    %dma_start3A_91 = arith.constant 0 : i32
    %dma_start3A_92 = tpu.memref_slice %arg2[%add3A_87, %dma_start3A_91] : memref<16384x10xi32, #tpu.memory_space<hbm>> -> memref<16x10xi32, #tpu.memory_space<hbm>>
    %dma_start3A_93 = arith.constant 112 : i32
    %dma_start3A_94 = arith.constant 0 : i32
    %dma_start3A_95 = tpu.memref_slice %arg4[%dma_start3A_93, %dma_start3A_94] : memref<512x10xi32, #tpu.memory_space<vmem>> -> memref<16x10xi32, #tpu.memory_space<vmem>>
    %dma_start3A_96 = arith.constant 0 : i32
    %dma_start3A_97 = tpu.memref_slice %arg2[%add3A_87, %dma_start3A_96] : memref<16384x10xi32, #tpu.memory_space<hbm>> -> memref<16x10xi32, #tpu.memory_space<hbm>>
    tpu.enqueue_dma source(%dma_start3A_97 : memref<16x10xi32, #tpu.memory_space<hbm>>) target(%dma_start3A_95 : memref<16x10xi32, #tpu.memory_space<vmem>>) target_semaphore(%arg6 : memref<!tpu.dma_semaphore, #tpu.memory_space<semaphore_mem>>)
    %add3A_98 = arith.constant 128 : i32
    %add3A_99 = arith.addi %mul3A_2, %add3A_98 : i32
    %dma_start3A_100 = arith.constant 128 : i32
    %dma_start3A_101 = arith.constant 0 : i32
    %dma_start3A_102 = tpu.memref_slice %arg4[%dma_start3A_100, %dma_start3A_101] : memref<512x10xi32, #tpu.memory_space<vmem>> -> memref<16x10xi32, #tpu.memory_space<vmem>>
    %dma_start3A_103 = arith.constant 0 : i32
    %dma_start3A_104 = tpu.memref_slice %arg2[%add3A_99, %dma_start3A_103] : memref<16384x10xi32, #tpu.memory_space<hbm>> -> memref<16x10xi32, #tpu.memory_space<hbm>>
    %dma_start3A_105 = arith.constant 128 : i32
    %dma_start3A_106 = arith.constant 0 : i32
    %dma_start3A_107 = tpu.memref_slice %arg4[%dma_start3A_105, %dma_start3A_106] : memref<512x10xi32, #tpu.memory_space<vmem>> -> memref<16x10xi32, #tpu.memory_space<vmem>>
    %dma_start3A_108 = arith.constant 0 : i32
    %dma_start3A_109 = tpu.memref_slice %arg2[%add3A_99, %dma_start3A_108] : memref<16384x10xi32, #tpu.memory_space<hbm>> -> memref<16x10xi32, #tpu.memory_space<hbm>>
    tpu.enqueue_dma source(%dma_start3A_109 : memref<16x10xi32, #tpu.memory_space<hbm>>) target(%dma_start3A_107 : memref<16x10xi32, #tpu.memory_space<vmem>>) target_semaphore(%arg6 : memref<!tpu.dma_semaphore, #tpu.memory_space<semaphore_mem>>)
    %add3A_110 = arith.constant 144 : i32
    %add3A_111 = arith.addi %mul3A_2, %add3A_110 : i32
    %dma_start3A_112 = arith.constant 144 : i32
    %dma_start3A_113 = arith.constant 0 : i32
    %dma_start3A_114 = tpu.memref_slice %arg4[%dma_start3A_112, %dma_start3A_113] : memref<512x10xi32, #tpu.memory_space<vmem>> -> memref<16x10xi32, #tpu.memory_space<vmem>>
    %dma_start3A_115 = arith.constant 0 : i32
    %dma_start3A_116 = tpu.memref_slice %arg2[%add3A_111, %dma_start3A_115] : memref<16384x10xi32, #tpu.memory_space<hbm>> -> memref<16x10xi32, #tpu.memory_space<hbm>>
    %dma_start3A_117 = arith.constant 144 : i32
    %dma_start3A_118 = arith.constant 0 : i32
    %dma_start3A_119 = tpu.memref_slice %arg4[%dma_start3A_117, %dma_start3A_118] : memref<512x10xi32, #tpu.memory_space<vmem>> -> memref<16x10xi32, #tpu.memory_space<vmem>>
    %dma_start3A_120 = arith.constant 0 : i32
    %dma_start3A_121 = tpu.memref_slice %arg2[%add3A_111, %dma_start3A_120] : memref<16384x10xi32, #tpu.memory_space<hbm>> -> memref<16x10xi32, #tpu.memory_space<hbm>>
    tpu.enqueue_dma source(%dma_start3A_121 : memref<16x10xi32, #tpu.memory_space<hbm>>) target(%dma_start3A_119 : memref<16x10xi32, #tpu.memory_space<vmem>>) target_semaphore(%arg6 : memref<!tpu.dma_semaphore, #tpu.memory_space<semaphore_mem>>)
    %add3A_122 = arith.constant 160 : i32
    %add3A_123 = arith.addi %mul3A_2, %add3A_122 : i32
    %dma_start3A_124 = arith.constant 160 : i32
    %dma_start3A_125 = arith.constant 0 : i32
    %dma_start3A_126 = tpu.memref_slice %arg4[%dma_start3A_124, %dma_start3A_125] : memref<512x10xi32, #tpu.memory_space<vmem>> -> memref<16x10xi32, #tpu.memory_space<vmem>>
    %dma_start3A_127 = arith.constant 0 : i32
    %dma_start3A_128 = tpu.memref_slice %arg2[%add3A_123, %dma_start3A_127] : memref<16384x10xi32, #tpu.memory_space<hbm>> -> memref<16x10xi32, #tpu.memory_space<hbm>>
    %dma_start3A_129 = arith.constant 160 : i32
    %dma_start3A_130 = arith.constant 0 : i32
    %dma_start3A_131 = tpu.memref_slice %arg4[%dma_start3A_129, %dma_start3A_130] : memref<512x10xi32, #tpu.memory_space<vmem>> -> memref<16x10xi32, #tpu.memory_space<vmem>>
    %dma_start3A_132 = arith.constant 0 : i32
    %dma_start3A_133 = tpu.memref_slice %arg2[%add3A_123, %dma_start3A_132] : memref<16384x10xi32, #tpu.memory_space<hbm>> -> memref<16x10xi32, #tpu.memory_space<hbm>>
    tpu.enqueue_dma source(%dma_start3A_133 : memref<16x10xi32, #tpu.memory_space<hbm>>) target(%dma_start3A_131 : memref<16x10xi32, #tpu.memory_space<vmem>>) target_semaphore(%arg6 : memref<!tpu.dma_semaphore, #tpu.memory_space<semaphore_mem>>)
    %add3A_134 = arith.constant 176 : i32
    %add3A_135 = arith.addi %mul3A_2, %add3A_134 : i32
    %dma_start3A_136 = arith.constant 176 : i32
    %dma_start3A_137 = arith.constant 0 : i32
    %dma_start3A_138 = tpu.memref_slice %arg4[%dma_start3A_136, %dma_start3A_137] : memref<512x10xi32, #tpu.memory_space<vmem>> -> memref<16x10xi32, #tpu.memory_space<vmem>>
    %dma_start3A_139 = arith.constant 0 : i32
    %dma_start3A_140 = tpu.memref_slice %arg2[%add3A_135, %dma_start3A_139] : memref<16384x10xi32, #tpu.memory_space<hbm>> -> memref<16x10xi32, #tpu.memory_space<hbm>>
    %dma_start3A_141 = arith.constant 176 : i32
    %dma_start3A_142 = arith.constant 0 : i32
    %dma_start3A_143 = tpu.memref_slice %arg4[%dma_start3A_141, %dma_start3A_142] : memref<512x10xi32, #tpu.memory_space<vmem>> -> memref<16x10xi32, #tpu.memory_space<vmem>>
    %dma_start3A_144 = arith.constant 0 : i32
    %dma_start3A_145 = tpu.memref_slice %arg2[%add3A_135, %dma_start3A_144] : memref<16384x10xi32, #tpu.memory_space<hbm>> -> memref<16x10xi32, #tpu.memory_space<hbm>>
    tpu.enqueue_dma source(%dma_start3A_145 : memref<16x10xi32, #tpu.memory_space<hbm>>) target(%dma_start3A_143 : memref<16x10xi32, #tpu.memory_space<vmem>>) target_semaphore(%arg6 : memref<!tpu.dma_semaphore, #tpu.memory_space<semaphore_mem>>)
    %add3A_146 = arith.constant 192 : i32
    %add3A_147 = arith.addi %mul3A_2, %add3A_146 : i32
    %dma_start3A_148 = arith.constant 192 : i32
    %dma_start3A_149 = arith.constant 0 : i32
    %dma_start3A_150 = tpu.memref_slice %arg4[%dma_start3A_148, %dma_start3A_149] : memref<512x10xi32, #tpu.memory_space<vmem>> -> memref<16x10xi32, #tpu.memory_space<vmem>>
    %dma_start3A_151 = arith.constant 0 : i32
    %dma_start3A_152 = tpu.memref_slice %arg2[%add3A_147, %dma_start3A_151] : memref<16384x10xi32, #tpu.memory_space<hbm>> -> memref<16x10xi32, #tpu.memory_space<hbm>>
    %dma_start3A_153 = arith.constant 192 : i32
    %dma_start3A_154 = arith.constant 0 : i32
    %dma_start3A_155 = tpu.memref_slice %arg4[%dma_start3A_153, %dma_start3A_154] : memref<512x10xi32, #tpu.memory_space<vmem>> -> memref<16x10xi32, #tpu.memory_space<vmem>>
    %dma_start3A_156 = arith.constant 0 : i32
    %dma_start3A_157 = tpu.memref_slice %arg2[%add3A_147, %dma_start3A_156] : memref<16384x10xi32, #tpu.memory_space<hbm>> -> memref<16x10xi32, #tpu.memory_space<hbm>>
    tpu.enqueue_dma source(%dma_start3A_157 : memref<16x10xi32, #tpu.memory_space<hbm>>) target(%dma_start3A_155 : memref<16x10xi32, #tpu.memory_space<vmem>>) target_semaphore(%arg6 : memref<!tpu.dma_semaphore, #tpu.memory_space<semaphore_mem>>)
    %add3A_158 = arith.constant 208 : i32
    %add3A_159 = arith.addi %mul3A_2, %add3A_158 : i32
    %dma_start3A_160 = arith.constant 208 : i32
    %dma_start3A_161 = arith.constant 0 : i32
    %dma_start3A_162 = tpu.memref_slice %arg4[%dma_start3A_160, %dma_start3A_161] : memref<512x10xi32, #tpu.memory_space<vmem>> -> memref<16x10xi32, #tpu.memory_space<vmem>>
    %dma_start3A_163 = arith.constant 0 : i32
    %dma_start3A_164 = tpu.memref_slice %arg2[%add3A_159, %dma_start3A_163] : memref<16384x10xi32, #tpu.memory_space<hbm>> -> memref<16x10xi32, #tpu.memory_space<hbm>>
    %dma_start3A_165 = arith.constant 208 : i32
    %dma_start3A_166 = arith.constant 0 : i32
    %dma_start3A_167 = tpu.memref_slice %arg4[%dma_start3A_165, %dma_start3A_166] : memref<512x10xi32, #tpu.memory_space<vmem>> -> memref<16x10xi32, #tpu.memory_space<vmem>>
    %dma_start3A_168 = arith.constant 0 : i32
    %dma_start3A_169 = tpu.memref_slice %arg2[%add3A_159, %dma_start3A_168] : memref<16384x10xi32, #tpu.memory_space<hbm>> -> memref<16x10xi32, #tpu.memory_space<hbm>>
    tpu.enqueue_dma source(%dma_start3A_169 : memref<16x10xi32, #tpu.memory_space<hbm>>) target(%dma_start3A_167 : memref<16x10xi32, #tpu.memory_space<vmem>>) target_semaphore(%arg6 : memref<!tpu.dma_semaphore, #tpu.memory_space<semaphore_mem>>)
    %add3A_170 = arith.constant 224 : i32
    %add3A_171 = arith.addi %mul3A_2, %add3A_170 : i32
    %dma_start3A_172 = arith.constant 224 : i32
    %dma_start3A_173 = arith.constant 0 : i32
    %dma_start3A_174 = tpu.memref_slice %arg4[%dma_start3A_172, %dma_start3A_173] : memref<512x10xi32, #tpu.memory_space<vmem>> -> memref<16x10xi32, #tpu.memory_space<vmem>>
    %dma_start3A_175 = arith.constant 0 : i32
    %dma_start3A_176 = tpu.memref_slice %arg2[%add3A_171, %dma_start3A_175] : memref<16384x10xi32, #tpu.memory_space<hbm>> -> memref<16x10xi32, #tpu.memory_space<hbm>>
    %dma_start3A_177 = arith.constant 224 : i32
    %dma_start3A_178 = arith.constant 0 : i32
    %dma_start3A_179 = tpu.memref_slice %arg4[%dma_start3A_177, %dma_start3A_178] : memref<512x10xi32, #tpu.memory_space<vmem>> -> memref<16x10xi32, #tpu.memory_space<vmem>>
    %dma_start3A_180 = arith.constant 0 : i32
    %dma_start3A_181 = tpu.memref_slice %arg2[%add3A_171, %dma_start3A_180] : memref<16384x10xi32, #tpu.memory_space<hbm>> -> memref<16x10xi32, #tpu.memory_space<hbm>>
    tpu.enqueue_dma source(%dma_start3A_181 : memref<16x10xi32, #tpu.memory_space<hbm>>) target(%dma_start3A_179 : memref<16x10xi32, #tpu.memory_space<vmem>>) target_semaphore(%arg6 : memref<!tpu.dma_semaphore, #tpu.memory_space<semaphore_mem>>)
    %add3A_182 = arith.constant 240 : i32
    %add3A_183 = arith.addi %mul3A_2, %add3A_182 : i32
    %dma_start3A_184 = arith.constant 240 : i32
    %dma_start3A_185 = arith.constant 0 : i32
    %dma_start3A_186 = tpu.memref_slice %arg4[%dma_start3A_184, %dma_start3A_185] : memref<512x10xi32, #tpu.memory_space<vmem>> -> memref<16x10xi32, #tpu.memory_space<vmem>>
    %dma_start3A_187 = arith.constant 0 : i32
    %dma_start3A_188 = tpu.memref_slice %arg2[%add3A_183, %dma_start3A_187] : memref<16384x10xi32, #tpu.memory_space<hbm>> -> memref<16x10xi32, #tpu.memory_space<hbm>>
    %dma_start3A_189 = arith.constant 240 : i32
    %dma_start3A_190 = arith.constant 0 : i32
    %dma_start3A_191 = tpu.memref_slice %arg4[%dma_start3A_189, %dma_start3A_190] : memref<512x10xi32, #tpu.memory_space<vmem>> -> memref<16x10xi32, #tpu.memory_space<vmem>>
    %dma_start3A_192 = arith.constant 0 : i32
    %dma_start3A_193 = tpu.memref_slice %arg2[%add3A_183, %dma_start3A_192] : memref<16384x10xi32, #tpu.memory_space<hbm>> -> memref<16x10xi32, #tpu.memory_space<hbm>>
    tpu.enqueue_dma source(%dma_start3A_193 : memref<16x10xi32, #tpu.memory_space<hbm>>) target(%dma_start3A_191 : memref<16x10xi32, #tpu.memory_space<vmem>>) target_semaphore(%arg6 : memref<!tpu.dma_semaphore, #tpu.memory_space<semaphore_mem>>)
    %add3A_194 = arith.constant 256 : i32
    %add3A_195 = arith.addi %mul3A_2, %add3A_194 : i32
    %dma_start3A_196 = arith.constant 256 : i32
    %dma_start3A_197 = arith.constant 0 : i32
    %dma_start3A_198 = tpu.memref_slice %arg4[%dma_start3A_196, %dma_start3A_197] : memref<512x10xi32, #tpu.memory_space<vmem>> -> memref<16x10xi32, #tpu.memory_space<vmem>>
    %dma_start3A_199 = arith.constant 0 : i32
    %dma_start3A_200 = tpu.memref_slice %arg2[%add3A_195, %dma_start3A_199] : memref<16384x10xi32, #tpu.memory_space<hbm>> -> memref<16x10xi32, #tpu.memory_space<hbm>>
    %dma_start3A_201 = arith.constant 256 : i32
    %dma_start3A_202 = arith.constant 0 : i32
    %dma_start3A_203 = tpu.memref_slice %arg4[%dma_start3A_201, %dma_start3A_202] : memref<512x10xi32, #tpu.memory_space<vmem>> -> memref<16x10xi32, #tpu.memory_space<vmem>>
    %dma_start3A_204 = arith.constant 0 : i32
    %dma_start3A_205 = tpu.memref_slice %arg2[%add3A_195, %dma_start3A_204] : memref<16384x10xi32, #tpu.memory_space<hbm>> -> memref<16x10xi32, #tpu.memory_space<hbm>>
    tpu.enqueue_dma source(%dma_start3A_205 : memref<16x10xi32, #tpu.memory_space<hbm>>) target(%dma_start3A_203 : memref<16x10xi32, #tpu.memory_space<vmem>>) target_semaphore(%arg6 : memref<!tpu.dma_semaphore, #tpu.memory_space<semaphore_mem>>)
    %add3A_206 = arith.constant 272 : i32
    %add3A_207 = arith.addi %mul3A_2, %add3A_206 : i32
    %dma_start3A_208 = arith.constant 272 : i32
    %dma_start3A_209 = arith.constant 0 : i32
    %dma_start3A_210 = tpu.memref_slice %arg4[%dma_start3A_208, %dma_start3A_209] : memref<512x10xi32, #tpu.memory_space<vmem>> -> memref<16x10xi32, #tpu.memory_space<vmem>>
    %dma_start3A_211 = arith.constant 0 : i32
    %dma_start3A_212 = tpu.memref_slice %arg2[%add3A_207, %dma_start3A_211] : memref<16384x10xi32, #tpu.memory_space<hbm>> -> memref<16x10xi32, #tpu.memory_space<hbm>>
    %dma_start3A_213 = arith.constant 272 : i32
    %dma_start3A_214 = arith.constant 0 : i32
    %dma_start3A_215 = tpu.memref_slice %arg4[%dma_start3A_213, %dma_start3A_214] : memref<512x10xi32, #tpu.memory_space<vmem>> -> memref<16x10xi32, #tpu.memory_space<vmem>>
    %dma_start3A_216 = arith.constant 0 : i32
    %dma_start3A_217 = tpu.memref_slice %arg2[%add3A_207, %dma_start3A_216] : memref<16384x10xi32, #tpu.memory_space<hbm>> -> memref<16x10xi32, #tpu.memory_space<hbm>>
    tpu.enqueue_dma source(%dma_start3A_217 : memref<16x10xi32, #tpu.memory_space<hbm>>) target(%dma_start3A_215 : memref<16x10xi32, #tpu.memory_space<vmem>>) target_semaphore(%arg6 : memref<!tpu.dma_semaphore, #tpu.memory_space<semaphore_mem>>)
    %add3A_218 = arith.constant 288 : i32
    %add3A_219 = arith.addi %mul3A_2, %add3A_218 : i32
    %dma_start3A_220 = arith.constant 288 : i32
    %dma_start3A_221 = arith.constant 0 : i32
    %dma_start3A_222 = tpu.memref_slice %arg4[%dma_start3A_220, %dma_start3A_221] : memref<512x10xi32, #tpu.memory_space<vmem>> -> memref<16x10xi32, #tpu.memory_space<vmem>>
    %dma_start3A_223 = arith.constant 0 : i32
    %dma_start3A_224 = tpu.memref_slice %arg2[%add3A_219, %dma_start3A_223] : memref<16384x10xi32, #tpu.memory_space<hbm>> -> memref<16x10xi32, #tpu.memory_space<hbm>>
    %dma_start3A_225 = arith.constant 288 : i32
    %dma_start3A_226 = arith.constant 0 : i32
    %dma_start3A_227 = tpu.memref_slice %arg4[%dma_start3A_225, %dma_start3A_226] : memref<512x10xi32, #tpu.memory_space<vmem>> -> memref<16x10xi32, #tpu.memory_space<vmem>>
    %dma_start3A_228 = arith.constant 0 : i32
    %dma_start3A_229 = tpu.memref_slice %arg2[%add3A_219, %dma_start3A_228] : memref<16384x10xi32, #tpu.memory_space<hbm>> -> memref<16x10xi32, #tpu.memory_space<hbm>>
    tpu.enqueue_dma source(%dma_start3A_229 : memref<16x10xi32, #tpu.memory_space<hbm>>) target(%dma_start3A_227 : memref<16x10xi32, #tpu.memory_space<vmem>>) target_semaphore(%arg6 : memref<!tpu.dma_semaphore, #tpu.memory_space<semaphore_mem>>)
    %add3A_230 = arith.constant 304 : i32
    %add3A_231 = arith.addi %mul3A_2, %add3A_230 : i32
    %dma_start3A_232 = arith.constant 304 : i32
    %dma_start3A_233 = arith.constant 0 : i32
    %dma_start3A_234 = tpu.memref_slice %arg4[%dma_start3A_232, %dma_start3A_233] : memref<512x10xi32, #tpu.memory_space<vmem>> -> memref<16x10xi32, #tpu.memory_space<vmem>>
    %dma_start3A_235 = arith.constant 0 : i32
    %dma_start3A_236 = tpu.memref_slice %arg2[%add3A_231, %dma_start3A_235] : memref<16384x10xi32, #tpu.memory_space<hbm>> -> memref<16x10xi32, #tpu.memory_space<hbm>>
    %dma_start3A_237 = arith.constant 304 : i32
    %dma_start3A_238 = arith.constant 0 : i32
    %dma_start3A_239 = tpu.memref_slice %arg4[%dma_start3A_237, %dma_start3A_238] : memref<512x10xi32, #tpu.memory_space<vmem>> -> memref<16x10xi32, #tpu.memory_space<vmem>>
    %dma_start3A_240 = arith.constant 0 : i32
    %dma_start3A_241 = tpu.memref_slice %arg2[%add3A_231, %dma_start3A_240] : memref<16384x10xi32, #tpu.memory_space<hbm>> -> memref<16x10xi32, #tpu.memory_space<hbm>>
    tpu.enqueue_dma source(%dma_start3A_241 : memref<16x10xi32, #tpu.memory_space<hbm>>) target(%dma_start3A_239 : memref<16x10xi32, #tpu.memory_space<vmem>>) target_semaphore(%arg6 : memref<!tpu.dma_semaphore, #tpu.memory_space<semaphore_mem>>)
    %add3A_242 = arith.constant 320 : i32
    %add3A_243 = arith.addi %mul3A_2, %add3A_242 : i32
    %dma_start3A_244 = arith.constant 320 : i32
    %dma_start3A_245 = arith.constant 0 : i32
    %dma_start3A_246 = tpu.memref_slice %arg4[%dma_start3A_244, %dma_start3A_245] : memref<512x10xi32, #tpu.memory_space<vmem>> -> memref<16x10xi32, #tpu.memory_space<vmem>>
    %dma_start3A_247 = arith.constant 0 : i32
    %dma_start3A_248 = tpu.memref_slice %arg2[%add3A_243, %dma_start3A_247] : memref<16384x10xi32, #tpu.memory_space<hbm>> -> memref<16x10xi32, #tpu.memory_space<hbm>>
    %dma_start3A_249 = arith.constant 320 : i32
    %dma_start3A_250 = arith.constant 0 : i32
    %dma_start3A_251 = tpu.memref_slice %arg4[%dma_start3A_249, %dma_start3A_250] : memref<512x10xi32, #tpu.memory_space<vmem>> -> memref<16x10xi32, #tpu.memory_space<vmem>>
    %dma_start3A_252 = arith.constant 0 : i32
    %dma_start3A_253 = tpu.memref_slice %arg2[%add3A_243, %dma_start3A_252] : memref<16384x10xi32, #tpu.memory_space<hbm>> -> memref<16x10xi32, #tpu.memory_space<hbm>>
    tpu.enqueue_dma source(%dma_start3A_253 : memref<16x10xi32, #tpu.memory_space<hbm>>) target(%dma_start3A_251 : memref<16x10xi32, #tpu.memory_space<vmem>>) target_semaphore(%arg6 : memref<!tpu.dma_semaphore, #tpu.memory_space<semaphore_mem>>)
    %add3A_254 = arith.constant 336 : i32
    %add3A_255 = arith.addi %mul3A_2, %add3A_254 : i32
    %dma_start3A_256 = arith.constant 336 : i32
    %dma_start3A_257 = arith.constant 0 : i32
    %dma_start3A_258 = tpu.memref_slice %arg4[%dma_start3A_256, %dma_start3A_257] : memref<512x10xi32, #tpu.memory_space<vmem>> -> memref<16x10xi32, #tpu.memory_space<vmem>>
    %dma_start3A_259 = arith.constant 0 : i32
    %dma_start3A_260 = tpu.memref_slice %arg2[%add3A_255, %dma_start3A_259] : memref<16384x10xi32, #tpu.memory_space<hbm>> -> memref<16x10xi32, #tpu.memory_space<hbm>>
    %dma_start3A_261 = arith.constant 336 : i32
    %dma_start3A_262 = arith.constant 0 : i32
    %dma_start3A_263 = tpu.memref_slice %arg4[%dma_start3A_261, %dma_start3A_262] : memref<512x10xi32, #tpu.memory_space<vmem>> -> memref<16x10xi32, #tpu.memory_space<vmem>>
    %dma_start3A_264 = arith.constant 0 : i32
    %dma_start3A_265 = tpu.memref_slice %arg2[%add3A_255, %dma_start3A_264] : memref<16384x10xi32, #tpu.memory_space<hbm>> -> memref<16x10xi32, #tpu.memory_space<hbm>>
    tpu.enqueue_dma source(%dma_start3A_265 : memref<16x10xi32, #tpu.memory_space<hbm>>) target(%dma_start3A_263 : memref<16x10xi32, #tpu.memory_space<vmem>>) target_semaphore(%arg6 : memref<!tpu.dma_semaphore, #tpu.memory_space<semaphore_mem>>)
    %add3A_266 = arith.constant 352 : i32
    %add3A_267 = arith.addi %mul3A_2, %add3A_266 : i32
    %dma_start3A_268 = arith.constant 352 : i32
    %dma_start3A_269 = arith.constant 0 : i32
    %dma_start3A_270 = tpu.memref_slice %arg4[%dma_start3A_268, %dma_start3A_269] : memref<512x10xi32, #tpu.memory_space<vmem>> -> memref<16x10xi32, #tpu.memory_space<vmem>>
    %dma_start3A_271 = arith.constant 0 : i32
    %dma_start3A_272 = tpu.memref_slice %arg2[%add3A_267, %dma_start3A_271] : memref<16384x10xi32, #tpu.memory_space<hbm>> -> memref<16x10xi32, #tpu.memory_space<hbm>>
    %dma_start3A_273 = arith.constant 352 : i32
    %dma_start3A_274 = arith.constant 0 : i32
    %dma_start3A_275 = tpu.memref_slice %arg4[%dma_start3A_273, %dma_start3A_274] : memref<512x10xi32, #tpu.memory_space<vmem>> -> memref<16x10xi32, #tpu.memory_space<vmem>>
    %dma_start3A_276 = arith.constant 0 : i32
    %dma_start3A_277 = tpu.memref_slice %arg2[%add3A_267, %dma_start3A_276] : memref<16384x10xi32, #tpu.memory_space<hbm>> -> memref<16x10xi32, #tpu.memory_space<hbm>>
    tpu.enqueue_dma source(%dma_start3A_277 : memref<16x10xi32, #tpu.memory_space<hbm>>) target(%dma_start3A_275 : memref<16x10xi32, #tpu.memory_space<vmem>>) target_semaphore(%arg6 : memref<!tpu.dma_semaphore, #tpu.memory_space<semaphore_mem>>)
    %add3A_278 = arith.constant 368 : i32
    %add3A_279 = arith.addi %mul3A_2, %add3A_278 : i32
    %dma_start3A_280 = arith.constant 368 : i32
    %dma_start3A_281 = arith.constant 0 : i32
    %dma_start3A_282 = tpu.memref_slice %arg4[%dma_start3A_280, %dma_start3A_281] : memref<512x10xi32, #tpu.memory_space<vmem>> -> memref<16x10xi32, #tpu.memory_space<vmem>>
    %dma_start3A_283 = arith.constant 0 : i32
    %dma_start3A_284 = tpu.memref_slice %arg2[%add3A_279, %dma_start3A_283] : memref<16384x10xi32, #tpu.memory_space<hbm>> -> memref<16x10xi32, #tpu.memory_space<hbm>>
    %dma_start3A_285 = arith.constant 368 : i32
    %dma_start3A_286 = arith.constant 0 : i32
    %dma_start3A_287 = tpu.memref_slice %arg4[%dma_start3A_285, %dma_start3A_286] : memref<512x10xi32, #tpu.memory_space<vmem>> -> memref<16x10xi32, #tpu.memory_space<vmem>>
    %dma_start3A_288 = arith.constant 0 : i32
    %dma_start3A_289 = tpu.memref_slice %arg2[%add3A_279, %dma_start3A_288] : memref<16384x10xi32, #tpu.memory_space<hbm>> -> memref<16x10xi32, #tpu.memory_space<hbm>>
    tpu.enqueue_dma source(%dma_start3A_289 : memref<16x10xi32, #tpu.memory_space<hbm>>) target(%dma_start3A_287 : memref<16x10xi32, #tpu.memory_space<vmem>>) target_semaphore(%arg6 : memref<!tpu.dma_semaphore, #tpu.memory_space<semaphore_mem>>)
    %add3A_290 = arith.constant 384 : i32
    %add3A_291 = arith.addi %mul3A_2, %add3A_290 : i32
    %dma_start3A_292 = arith.constant 384 : i32
    %dma_start3A_293 = arith.constant 0 : i32
    %dma_start3A_294 = tpu.memref_slice %arg4[%dma_start3A_292, %dma_start3A_293] : memref<512x10xi32, #tpu.memory_space<vmem>> -> memref<16x10xi32, #tpu.memory_space<vmem>>
    %dma_start3A_295 = arith.constant 0 : i32
    %dma_start3A_296 = tpu.memref_slice %arg2[%add3A_291, %dma_start3A_295] : memref<16384x10xi32, #tpu.memory_space<hbm>> -> memref<16x10xi32, #tpu.memory_space<hbm>>
    %dma_start3A_297 = arith.constant 384 : i32
    %dma_start3A_298 = arith.constant 0 : i32
    %dma_start3A_299 = tpu.memref_slice %arg4[%dma_start3A_297, %dma_start3A_298] : memref<512x10xi32, #tpu.memory_space<vmem>> -> memref<16x10xi32, #tpu.memory_space<vmem>>
    %dma_start3A_300 = arith.constant 0 : i32
    %dma_start3A_301 = tpu.memref_slice %arg2[%add3A_291, %dma_start3A_300] : memref<16384x10xi32, #tpu.memory_space<hbm>> -> memref<16x10xi32, #tpu.memory_space<hbm>>
    tpu.enqueue_dma source(%dma_start3A_301 : memref<16x10xi32, #tpu.memory_space<hbm>>) target(%dma_start3A_299 : memref<16x10xi32, #tpu.memory_space<vmem>>) target_semaphore(%arg6 : memref<!tpu.dma_semaphore, #tpu.memory_space<semaphore_mem>>)
    %add3A_302 = arith.constant 400 : i32
    %add3A_303 = arith.addi %mul3A_2, %add3A_302 : i32
    %dma_start3A_304 = arith.constant 400 : i32
    %dma_start3A_305 = arith.constant 0 : i32
    %dma_start3A_306 = tpu.memref_slice %arg4[%dma_start3A_304, %dma_start3A_305] : memref<512x10xi32, #tpu.memory_space<vmem>> -> memref<16x10xi32, #tpu.memory_space<vmem>>
    %dma_start3A_307 = arith.constant 0 : i32
    %dma_start3A_308 = tpu.memref_slice %arg2[%add3A_303, %dma_start3A_307] : memref<16384x10xi32, #tpu.memory_space<hbm>> -> memref<16x10xi32, #tpu.memory_space<hbm>>
    %dma_start3A_309 = arith.constant 400 : i32
    %dma_start3A_310 = arith.constant 0 : i32
    %dma_start3A_311 = tpu.memref_slice %arg4[%dma_start3A_309, %dma_start3A_310] : memref<512x10xi32, #tpu.memory_space<vmem>> -> memref<16x10xi32, #tpu.memory_space<vmem>>
    %dma_start3A_312 = arith.constant 0 : i32
    %dma_start3A_313 = tpu.memref_slice %arg2[%add3A_303, %dma_start3A_312] : memref<16384x10xi32, #tpu.memory_space<hbm>> -> memref<16x10xi32, #tpu.memory_space<hbm>>
    tpu.enqueue_dma source(%dma_start3A_313 : memref<16x10xi32, #tpu.memory_space<hbm>>) target(%dma_start3A_311 : memref<16x10xi32, #tpu.memory_space<vmem>>) target_semaphore(%arg6 : memref<!tpu.dma_semaphore, #tpu.memory_space<semaphore_mem>>)
    %add3A_314 = arith.constant 416 : i32
    %add3A_315 = arith.addi %mul3A_2, %add3A_314 : i32
    %dma_start3A_316 = arith.constant 416 : i32
    %dma_start3A_317 = arith.constant 0 : i32
    %dma_start3A_318 = tpu.memref_slice %arg4[%dma_start3A_316, %dma_start3A_317] : memref<512x10xi32, #tpu.memory_space<vmem>> -> memref<16x10xi32, #tpu.memory_space<vmem>>
    %dma_start3A_319 = arith.constant 0 : i32
    %dma_start3A_320 = tpu.memref_slice %arg2[%add3A_315, %dma_start3A_319] : memref<16384x10xi32, #tpu.memory_space<hbm>> -> memref<16x10xi32, #tpu.memory_space<hbm>>
    %dma_start3A_321 = arith.constant 416 : i32
    %dma_start3A_322 = arith.constant 0 : i32
    %dma_start3A_323 = tpu.memref_slice %arg4[%dma_start3A_321, %dma_start3A_322] : memref<512x10xi32, #tpu.memory_space<vmem>> -> memref<16x10xi32, #tpu.memory_space<vmem>>
    %dma_start3A_324 = arith.constant 0 : i32
    %dma_start3A_325 = tpu.memref_slice %arg2[%add3A_315, %dma_start3A_324] : memref<16384x10xi32, #tpu.memory_space<hbm>> -> memref<16x10xi32, #tpu.memory_space<hbm>>
    tpu.enqueue_dma source(%dma_start3A_325 : memref<16x10xi32, #tpu.memory_space<hbm>>) target(%dma_start3A_323 : memref<16x10xi32, #tpu.memory_space<vmem>>) target_semaphore(%arg6 : memref<!tpu.dma_semaphore, #tpu.memory_space<semaphore_mem>>)
    %add3A_326 = arith.constant 432 : i32
    %add3A_327 = arith.addi %mul3A_2, %add3A_326 : i32
    %dma_start3A_328 = arith.constant 432 : i32
    %dma_start3A_329 = arith.constant 0 : i32
    %dma_start3A_330 = tpu.memref_slice %arg4[%dma_start3A_328, %dma_start3A_329] : memref<512x10xi32, #tpu.memory_space<vmem>> -> memref<16x10xi32, #tpu.memory_space<vmem>>
    %dma_start3A_331 = arith.constant 0 : i32
    %dma_start3A_332 = tpu.memref_slice %arg2[%add3A_327, %dma_start3A_331] : memref<16384x10xi32, #tpu.memory_space<hbm>> -> memref<16x10xi32, #tpu.memory_space<hbm>>
    %dma_start3A_333 = arith.constant 432 : i32
    %dma_start3A_334 = arith.constant 0 : i32
    %dma_start3A_335 = tpu.memref_slice %arg4[%dma_start3A_333, %dma_start3A_334] : memref<512x10xi32, #tpu.memory_space<vmem>> -> memref<16x10xi32, #tpu.memory_space<vmem>>
    %dma_start3A_336 = arith.constant 0 : i32
    %dma_start3A_337 = tpu.memref_slice %arg2[%add3A_327, %dma_start3A_336] : memref<16384x10xi32, #tpu.memory_space<hbm>> -> memref<16x10xi32, #tpu.memory_space<hbm>>
    tpu.enqueue_dma source(%dma_start3A_337 : memref<16x10xi32, #tpu.memory_space<hbm>>) target(%dma_start3A_335 : memref<16x10xi32, #tpu.memory_space<vmem>>) target_semaphore(%arg6 : memref<!tpu.dma_semaphore, #tpu.memory_space<semaphore_mem>>)
    %add3A_338 = arith.constant 448 : i32
    %add3A_339 = arith.addi %mul3A_2, %add3A_338 : i32
    %dma_start3A_340 = arith.constant 448 : i32
    %dma_start3A_341 = arith.constant 0 : i32
    %dma_start3A_342 = tpu.memref_slice %arg4[%dma_start3A_340, %dma_start3A_341] : memref<512x10xi32, #tpu.memory_space<vmem>> -> memref<16x10xi32, #tpu.memory_space<vmem>>
    %dma_start3A_343 = arith.constant 0 : i32
    %dma_start3A_344 = tpu.memref_slice %arg2[%add3A_339, %dma_start3A_343] : memref<16384x10xi32, #tpu.memory_space<hbm>> -> memref<16x10xi32, #tpu.memory_space<hbm>>
    %dma_start3A_345 = arith.constant 448 : i32
    %dma_start3A_346 = arith.constant 0 : i32
    %dma_start3A_347 = tpu.memref_slice %arg4[%dma_start3A_345, %dma_start3A_346] : memref<512x10xi32, #tpu.memory_space<vmem>> -> memref<16x10xi32, #tpu.memory_space<vmem>>
    %dma_start3A_348 = arith.constant 0 : i32
    %dma_start3A_349 = tpu.memref_slice %arg2[%add3A_339, %dma_start3A_348] : memref<16384x10xi32, #tpu.memory_space<hbm>> -> memref<16x10xi32, #tpu.memory_space<hbm>>
    tpu.enqueue_dma source(%dma_start3A_349 : memref<16x10xi32, #tpu.memory_space<hbm>>) target(%dma_start3A_347 : memref<16x10xi32, #tpu.memory_space<vmem>>) target_semaphore(%arg6 : memref<!tpu.dma_semaphore, #tpu.memory_space<semaphore_mem>>)
    %add3A_350 = arith.constant 464 : i32
    %add3A_351 = arith.addi %mul3A_2, %add3A_350 : i32
    %dma_start3A_352 = arith.constant 464 : i32
    %dma_start3A_353 = arith.constant 0 : i32
    %dma_start3A_354 = tpu.memref_slice %arg4[%dma_start3A_352, %dma_start3A_353] : memref<512x10xi32, #tpu.memory_space<vmem>> -> memref<16x10xi32, #tpu.memory_space<vmem>>
    %dma_start3A_355 = arith.constant 0 : i32
    %dma_start3A_356 = tpu.memref_slice %arg2[%add3A_351, %dma_start3A_355] : memref<16384x10xi32, #tpu.memory_space<hbm>> -> memref<16x10xi32, #tpu.memory_space<hbm>>
    %dma_start3A_357 = arith.constant 464 : i32
    %dma_start3A_358 = arith.constant 0 : i32
    %dma_start3A_359 = tpu.memref_slice %arg4[%dma_start3A_357, %dma_start3A_358] : memref<512x10xi32, #tpu.memory_space<vmem>> -> memref<16x10xi32, #tpu.memory_space<vmem>>
    %dma_start3A_360 = arith.constant 0 : i32
    %dma_start3A_361 = tpu.memref_slice %arg2[%add3A_351, %dma_start3A_360] : memref<16384x10xi32, #tpu.memory_space<hbm>> -> memref<16x10xi32, #tpu.memory_space<hbm>>
    tpu.enqueue_dma source(%dma_start3A_361 : memref<16x10xi32, #tpu.memory_space<hbm>>) target(%dma_start3A_359 : memref<16x10xi32, #tpu.memory_space<vmem>>) target_semaphore(%arg6 : memref<!tpu.dma_semaphore, #tpu.memory_space<semaphore_mem>>)
    %add3A_362 = arith.constant 480 : i32
    %add3A_363 = arith.addi %mul3A_2, %add3A_362 : i32
    %dma_start3A_364 = arith.constant 480 : i32
    %dma_start3A_365 = arith.constant 0 : i32
    %dma_start3A_366 = tpu.memref_slice %arg4[%dma_start3A_364, %dma_start3A_365] : memref<512x10xi32, #tpu.memory_space<vmem>> -> memref<16x10xi32, #tpu.memory_space<vmem>>
    %dma_start3A_367 = arith.constant 0 : i32
    %dma_start3A_368 = tpu.memref_slice %arg2[%add3A_363, %dma_start3A_367] : memref<16384x10xi32, #tpu.memory_space<hbm>> -> memref<16x10xi32, #tpu.memory_space<hbm>>
    %dma_start3A_369 = arith.constant 480 : i32
    %dma_start3A_370 = arith.constant 0 : i32
    %dma_start3A_371 = tpu.memref_slice %arg4[%dma_start3A_369, %dma_start3A_370] : memref<512x10xi32, #tpu.memory_space<vmem>> -> memref<16x10xi32, #tpu.memory_space<vmem>>
    %dma_start3A_372 = arith.constant 0 : i32
    %dma_start3A_373 = tpu.memref_slice %arg2[%add3A_363, %dma_start3A_372] : memref<16384x10xi32, #tpu.memory_space<hbm>> -> memref<16x10xi32, #tpu.memory_space<hbm>>
    tpu.enqueue_dma source(%dma_start3A_373 : memref<16x10xi32, #tpu.memory_space<hbm>>) target(%dma_start3A_371 : memref<16x10xi32, #tpu.memory_space<vmem>>) target_semaphore(%arg6 : memref<!tpu.dma_semaphore, #tpu.memory_space<semaphore_mem>>)
    %add3A_374 = arith.constant 496 : i32
    %add3A_375 = arith.addi %mul3A_2, %add3A_374 : i32
    %dma_start3A_376 = arith.constant 496 : i32
    %dma_start3A_377 = arith.constant 0 : i32
    %dma_start3A_378 = tpu.memref_slice %arg4[%dma_start3A_376, %dma_start3A_377] : memref<512x10xi32, #tpu.memory_space<vmem>> -> memref<16x10xi32, #tpu.memory_space<vmem>>
    %dma_start3A_379 = arith.constant 0 : i32
    %dma_start3A_380 = tpu.memref_slice %arg2[%add3A_375, %dma_start3A_379] : memref<16384x10xi32, #tpu.memory_space<hbm>> -> memref<16x10xi32, #tpu.memory_space<hbm>>
    %dma_start3A_381 = arith.constant 496 : i32
    %dma_start3A_382 = arith.constant 0 : i32
    %dma_start3A_383 = tpu.memref_slice %arg4[%dma_start3A_381, %dma_start3A_382] : memref<512x10xi32, #tpu.memory_space<vmem>> -> memref<16x10xi32, #tpu.memory_space<vmem>>
    %dma_start3A_384 = arith.constant 0 : i32
    %dma_start3A_385 = tpu.memref_slice %arg2[%add3A_375, %dma_start3A_384] : memref<16384x10xi32, #tpu.memory_space<hbm>> -> memref<16x10xi32, #tpu.memory_space<hbm>>
    tpu.enqueue_dma source(%dma_start3A_385 : memref<16x10xi32, #tpu.memory_space<hbm>>) target(%dma_start3A_383 : memref<16x10xi32, #tpu.memory_space<vmem>>) target_semaphore(%arg6 : memref<!tpu.dma_semaphore, #tpu.memory_space<semaphore_mem>>)
    %iota3A = tpu.iota {dimensions = array<i32: 0>} : vector<16xi32>
    %broadcast_in_dim3A = arith.constant 0.000000e+00 : f32
    %broadcast_in_dim3A_386 = vector.broadcast %broadcast_in_dim3A : f32 to vector<16xf32>
    %broadcast_in_dim3A_387 = arith.constant 1.000000e+00 : f32
    %broadcast_in_dim3A_388 = vector.broadcast %broadcast_in_dim3A_387 : f32 to vector<16xf32>
    %jit3A = arith.constant 8 : i32
    %div3A = vector.broadcast %jit3A : i32 to vector<16xi32>
    %div3A_389 = arith.divsi %iota3A, %div3A : vector<16xi32>
    %sign3A = arith.constant 0 : i32
    %sign3A_390 = vector.broadcast %sign3A : i32 to vector<16xi32>
    %sign3A_391 = arith.cmpi sgt, %iota3A, %sign3A_390 : vector<16xi32>
    %sign3A_392 = arith.extui %sign3A_391 : vector<16xi1> to vector<16xi32>
    %sign3A_393 = arith.constant 0 : i32
    %sign3A_394 = vector.broadcast %sign3A_393 : i32 to vector<16xi32>
    %sign3A_395 = arith.cmpi slt, %iota3A, %sign3A_394 : vector<16xi32>
    %sign3A_396 = arith.extui %sign3A_395 : vector<16xi1> to vector<16xi32>
    %sign3A_397 = arith.subi %sign3A_392, %sign3A_396 : vector<16xi32>
    %sign3A_398 = arith.constant 0 : i32
    %sign3A_399 = arith.cmpi sgt, %jit3A, %sign3A_398 : i32
    %sign3A_400 = arith.extui %sign3A_399 : i1 to i32
    %sign3A_401 = arith.constant 0 : i32
    %sign3A_402 = arith.cmpi slt, %jit3A, %sign3A_401 : i32
    %sign3A_403 = arith.extui %sign3A_402 : i1 to i32
    %sign3A_404 = arith.subi %sign3A_400, %sign3A_403 : i32
    %ne3A = vector.broadcast %sign3A_404 : i32 to vector<16xi32>
    %ne3A_405 = arith.cmpi ne, %sign3A_397, %ne3A : vector<16xi32>
    %rem3A = vector.broadcast %jit3A : i32 to vector<16xi32>
    %rem3A_406 = arith.remsi %iota3A, %rem3A : vector<16xi32>
    %ne3A_407 = arith.constant 0 : i32
    %ne3A_408 = vector.broadcast %ne3A_407 : i32 to vector<16xi32>
    %ne3A_409 = arith.cmpi ne, %rem3A_406, %ne3A_408 : vector<16xi32>
    %and3A = arith.andi %ne3A_405, %ne3A_409 : vector<16xi1>
    %sub3A = arith.constant 1 : i32
    %sub3A_410 = vector.broadcast %sub3A : i32 to vector<16xi32>
    %sub3A_411 = arith.subi %div3A_389, %sub3A_410 : vector<16xi32>
    %select_n3A = arith.select %and3A, %sub3A_411, %div3A_389 : vector<16xi1>, vector<16xi32>
    %mul3A_412 = arith.constant 8 : i32
    %mul3A_413 = vector.broadcast %mul3A_412 : i32 to vector<16xi32>
    %mul3A_414 = arith.muli %select_n3A, %mul3A_413 : vector<16xi32>
    %sub3A_415 = arith.subi %iota3A, %mul3A_414 : vector<16xi32>
    %add3A_416 = arith.constant 80 : i32
    %add3A_417 = vector.broadcast %add3A_416 : i32 to vector<16xi32>
    %add3A_418 = arith.addi %add3A_417, %sub3A_415 : vector<16xi32>
    %scan3A = arith.constant 0 : i32
    %scan3A_419 = arith.constant 32 : i32
    %scan3A_420 = arith.addi %scan3A, %scan3A_419 : i32
    %scan3A_421 = arith.constant 1 : i32
    scf.for %scan3A_426 = %scan3A to %scan3A_420 step %scan3A_421  : i32 {
      %mul3A_427 = arith.constant 16 : i32
      %mul3A_428 = arith.muli %scan3A_426, %mul3A_427 : i32
      %add3A_429 = arith.constant 0 : i32
      %add3A_430 = arith.addi %add3A_429, %mul3A_428 : i32
      %add3A_431 = arith.addi %mul3A_2, %add3A_430 : i32
      %dma_wait3A_432 = arith.constant 0 : i32
      %dma_wait3A_433 = tpu.memref_slice %arg4[%add3A_430, %dma_wait3A_432] : memref<512x10xi32, #tpu.memory_space<vmem>> -> memref<16x10xi32, #tpu.memory_space<vmem>>
      %dma_wait3A_434 = arith.constant 0 : i32
      %dma_wait3A_435 = tpu.memref_slice %arg2[%add3A_431, %dma_wait3A_434] : memref<16384x10xi32, #tpu.memory_space<hbm>> -> memref<16x10xi32, #tpu.memory_space<hbm>>
      %dma_wait3A_436 = arith.constant 0 : i32
      %dma_wait3A_437 = tpu.memref_slice %arg4[%add3A_430, %dma_wait3A_436] : memref<512x10xi32, #tpu.memory_space<vmem>> -> memref<16x10xi32, #tpu.memory_space<vmem>>
      %dma_wait3A_438 = arith.constant 0 : i32
      %dma_wait3A_439 = tpu.memref_slice %arg2[%add3A_431, %dma_wait3A_438] : memref<16384x10xi32, #tpu.memory_space<hbm>> -> memref<16x10xi32, #tpu.memory_space<hbm>>
      tpu.wait_dma2 semaphore(%arg6 : memref<!tpu.dma_semaphore, #tpu.memory_space<semaphore_mem>>) src(%dma_wait3A_439 : memref<16x10xi32, #tpu.memory_space<hbm>>) dst(%dma_wait3A_437 : memref<16x10xi32, #tpu.memory_space<vmem>>)
      %add3A_440 = vector.broadcast %add3A_430 : i32 to vector<16xi32>
      %add3A_441 = arith.addi %add3A_440, %iota3A : vector<16xi32>
      %broadcast_in_dim3A_442 = arith.constant 0 : i32
      %broadcast_in_dim3A_443 = vector.broadcast %broadcast_in_dim3A_442 : i32 to vector<16xi32>
      %gather3A = tpu.vector_load_idx %arg4[%add3A_441, %broadcast_in_dim3A_443] : memref<512x10xi32, #tpu.memory_space<vmem>>[vector<16xi32>, vector<16xi32>], vector<16xi32>,
      %broadcast_in_dim3A_444 = arith.constant 1 : i32
      %broadcast_in_dim3A_445 = vector.broadcast %broadcast_in_dim3A_444 : i32 to vector<16xi32>
      %gather3A_446 = tpu.vector_load_idx %arg4[%add3A_441, %broadcast_in_dim3A_445] : memref<512x10xi32, #tpu.memory_space<vmem>>[vector<16xi32>, vector<16xi32>], vector<16xi32>,
      %broadcast_in_dim3A_447 = arith.constant 2 : i32
      %broadcast_in_dim3A_448 = vector.broadcast %broadcast_in_dim3A_447 : i32 to vector<16xi32>
      %gather3A_449 = tpu.vector_load_idx %arg4[%add3A_441, %broadcast_in_dim3A_448] : memref<512x10xi32, #tpu.memory_space<vmem>>[vector<16xi32>, vector<16xi32>], vector<16xi32>,
      %broadcast_in_dim3A_450 = arith.constant 3 : i32
      %broadcast_in_dim3A_451 = vector.broadcast %broadcast_in_dim3A_450 : i32 to vector<16xi32>
      %gather3A_452 = tpu.vector_load_idx %arg4[%add3A_441, %broadcast_in_dim3A_451] : memref<512x10xi32, #tpu.memory_space<vmem>>[vector<16xi32>, vector<16xi32>], vector<16xi32>,
      %broadcast_in_dim3A_453 = arith.constant 4 : i32
      %broadcast_in_dim3A_454 = vector.broadcast %broadcast_in_dim3A_453 : i32 to vector<16xi32>
      %gather3A_455 = tpu.vector_load_idx %arg4[%add3A_441, %broadcast_in_dim3A_454] : memref<512x10xi32, #tpu.memory_space<vmem>>[vector<16xi32>, vector<16xi32>], vector<16xi32>,
      %broadcast_in_dim3A_456 = arith.constant 5 : i32
      %broadcast_in_dim3A_457 = vector.broadcast %broadcast_in_dim3A_456 : i32 to vector<16xi32>
      %gather3A_458 = tpu.vector_load_idx %arg4[%add3A_441, %broadcast_in_dim3A_457] : memref<512x10xi32, #tpu.memory_space<vmem>>[vector<16xi32>, vector<16xi32>], vector<16xi32>,
      %broadcast_in_dim3A_459 = arith.constant 6 : i32
      %broadcast_in_dim3A_460 = vector.broadcast %broadcast_in_dim3A_459 : i32 to vector<16xi32>
      %gather3A_461 = tpu.vector_load_idx %arg4[%add3A_441, %broadcast_in_dim3A_460] : memref<512x10xi32, #tpu.memory_space<vmem>>[vector<16xi32>, vector<16xi32>], vector<16xi32>,
      %broadcast_in_dim3A_462 = arith.constant 7 : i32
      %broadcast_in_dim3A_463 = vector.broadcast %broadcast_in_dim3A_462 : i32 to vector<16xi32>
      %gather3A_464 = tpu.vector_load_idx %arg4[%add3A_441, %broadcast_in_dim3A_463] : memref<512x10xi32, #tpu.memory_space<vmem>>[vector<16xi32>, vector<16xi32>], vector<16xi32>,
      %broadcast_in_dim3A_465 = arith.constant 8 : i32
      %broadcast_in_dim3A_466 = vector.broadcast %broadcast_in_dim3A_465 : i32 to vector<16xi32>
      %gather3A_467 = tpu.vector_load_idx %arg4[%add3A_441, %broadcast_in_dim3A_466] : memref<512x10xi32, #tpu.memory_space<vmem>>[vector<16xi32>, vector<16xi32>], vector<16xi32>,
      %broadcast_in_dim3A_468 = arith.constant 9 : i32
      %broadcast_in_dim3A_469 = vector.broadcast %broadcast_in_dim3A_468 : i32 to vector<16xi32>
      %gather3A_470 = tpu.vector_load_idx %arg4[%add3A_441, %broadcast_in_dim3A_469] : memref<512x10xi32, #tpu.memory_space<vmem>>[vector<16xi32>, vector<16xi32>], vector<16xi32>,
      %add3A_471 = arith.constant 0 : i32
      %add3A_472 = arith.addi %add3A_430, %add3A_471 : i32
      %swap3A = arith.index_cast %add3A_472 : i32 to index
      %swap3A_473 = arith.constant 0 : index
      %swap3A_474 = tpu.vector_load %arg5[%swap3A, %swap3A_473] {strides = array<i32>} : memref<512x88xf32, #tpu.memory_space<vmem>>, vector<16xf32>,
      tpu.vector_store %arg5[%swap3A, %swap3A_473], %broadcast_in_dim3A_386 {strides = array<i32>} : memref<512x88xf32, #tpu.memory_space<vmem>>, vector<16xf32>,
      %add3A_475 = arith.constant 0 : i32
      %add3A_476 = arith.addi %add3A_430, %add3A_475 : i32
      %swap3A_477 = arith.index_cast %add3A_476 : i32 to index
      %swap3A_478 = arith.constant 16 : index
      %swap3A_479 = tpu.vector_load %arg5[%swap3A_477, %swap3A_478] {strides = array<i32>} : memref<512x88xf32, #tpu.memory_space<vmem>>, vector<16xf32>,
      tpu.vector_store %arg5[%swap3A_477, %swap3A_478], %broadcast_in_dim3A_386 {strides = array<i32>} : memref<512x88xf32, #tpu.memory_space<vmem>>, vector<16xf32>,
      %add3A_480 = arith.constant 0 : i32
      %add3A_481 = arith.addi %add3A_430, %add3A_480 : i32
      %swap3A_482 = arith.index_cast %add3A_481 : i32 to index
      %swap3A_483 = arith.constant 32 : index
      %swap3A_484 = tpu.vector_load %arg5[%swap3A_482, %swap3A_483] {strides = array<i32>} : memref<512x88xf32, #tpu.memory_space<vmem>>, vector<16xf32>,
      tpu.vector_store %arg5[%swap3A_482, %swap3A_483], %broadcast_in_dim3A_386 {strides = array<i32>} : memref<512x88xf32, #tpu.memory_space<vmem>>, vector<16xf32>,
      %add3A_485 = arith.constant 0 : i32
      %add3A_486 = arith.addi %add3A_430, %add3A_485 : i32
      %swap3A_487 = arith.index_cast %add3A_486 : i32 to index
      %swap3A_488 = arith.constant 48 : index
      %swap3A_489 = tpu.vector_load %arg5[%swap3A_487, %swap3A_488] {strides = array<i32>} : memref<512x88xf32, #tpu.memory_space<vmem>>, vector<16xf32>,
      tpu.vector_store %arg5[%swap3A_487, %swap3A_488], %broadcast_in_dim3A_386 {strides = array<i32>} : memref<512x88xf32, #tpu.memory_space<vmem>>, vector<16xf32>,
      %add3A_490 = arith.constant 0 : i32
      %add3A_491 = arith.addi %add3A_430, %add3A_490 : i32
      %swap3A_492 = arith.index_cast %add3A_491 : i32 to index
      %swap3A_493 = arith.constant 64 : index
      %swap3A_494 = tpu.vector_load %arg5[%swap3A_492, %swap3A_493] {strides = array<i32>} : memref<512x88xf32, #tpu.memory_space<vmem>>, vector<16xf32>,
      tpu.vector_store %arg5[%swap3A_492, %swap3A_493], %broadcast_in_dim3A_386 {strides = array<i32>} : memref<512x88xf32, #tpu.memory_space<vmem>>, vector<16xf32>,
      %add3A_495 = arith.constant 1 : i32
      %add3A_496 = arith.addi %add3A_430, %add3A_495 : i32
      %swap3A_497 = arith.index_cast %add3A_496 : i32 to index
      %swap3A_498 = arith.constant 0 : index
      %swap3A_499 = tpu.vector_load %arg5[%swap3A_497, %swap3A_498] {strides = array<i32>} : memref<512x88xf32, #tpu.memory_space<vmem>>, vector<16xf32>,
      tpu.vector_store %arg5[%swap3A_497, %swap3A_498], %broadcast_in_dim3A_386 {strides = array<i32>} : memref<512x88xf32, #tpu.memory_space<vmem>>, vector<16xf32>,
      %add3A_500 = arith.constant 1 : i32
      %add3A_501 = arith.addi %add3A_430, %add3A_500 : i32
      %swap3A_502 = arith.index_cast %add3A_501 : i32 to index
      %swap3A_503 = arith.constant 16 : index
      %swap3A_504 = tpu.vector_load %arg5[%swap3A_502, %swap3A_503] {strides = array<i32>} : memref<512x88xf32, #tpu.memory_space<vmem>>, vector<16xf32>,
      tpu.vector_store %arg5[%swap3A_502, %swap3A_503], %broadcast_in_dim3A_386 {strides = array<i32>} : memref<512x88xf32, #tpu.memory_space<vmem>>, vector<16xf32>,
      %add3A_505 = arith.constant 1 : i32
      %add3A_506 = arith.addi %add3A_430, %add3A_505 : i32
      %swap3A_507 = arith.index_cast %add3A_506 : i32 to index
      %swap3A_508 = arith.constant 32 : index
      %swap3A_509 = tpu.vector_load %arg5[%swap3A_507, %swap3A_508] {strides = array<i32>} : memref<512x88xf32, #tpu.memory_space<vmem>>, vector<16xf32>,
      tpu.vector_store %arg5[%swap3A_507, %swap3A_508], %broadcast_in_dim3A_386 {strides = array<i32>} : memref<512x88xf32, #tpu.memory_space<vmem>>, vector<16xf32>,
      %add3A_510 = arith.constant 1 : i32
      %add3A_511 = arith.addi %add3A_430, %add3A_510 : i32
      %swap3A_512 = arith.index_cast %add3A_511 : i32 to index
      %swap3A_513 = arith.constant 48 : index
      %swap3A_514 = tpu.vector_load %arg5[%swap3A_512, %swap3A_513] {strides = array<i32>} : memref<512x88xf32, #tpu.memory_space<vmem>>, vector<16xf32>,
      tpu.vector_store %arg5[%swap3A_512, %swap3A_513], %broadcast_in_dim3A_386 {strides = array<i32>} : memref<512x88xf32, #tpu.memory_space<vmem>>, vector<16xf32>,
      %add3A_515 = arith.constant 1 : i32
      %add3A_516 = arith.addi %add3A_430, %add3A_515 : i32
      %swap3A_517 = arith.index_cast %add3A_516 : i32 to index
      %swap3A_518 = arith.constant 64 : index
      %swap3A_519 = tpu.vector_load %arg5[%swap3A_517, %swap3A_518] {strides = array<i32>} : memref<512x88xf32, #tpu.memory_space<vmem>>, vector<16xf32>,
      tpu.vector_store %arg5[%swap3A_517, %swap3A_518], %broadcast_in_dim3A_386 {strides = array<i32>} : memref<512x88xf32, #tpu.memory_space<vmem>>, vector<16xf32>,
      %add3A_520 = arith.constant 2 : i32
      %add3A_521 = arith.addi %add3A_430, %add3A_520 : i32
      %swap3A_522 = arith.index_cast %add3A_521 : i32 to index
      %swap3A_523 = arith.constant 0 : index
      %swap3A_524 = tpu.vector_load %arg5[%swap3A_522, %swap3A_523] {strides = array<i32>} : memref<512x88xf32, #tpu.memory_space<vmem>>, vector<16xf32>,
      tpu.vector_store %arg5[%swap3A_522, %swap3A_523], %broadcast_in_dim3A_386 {strides = array<i32>} : memref<512x88xf32, #tpu.memory_space<vmem>>, vector<16xf32>,
      %add3A_525 = arith.constant 2 : i32
      %add3A_526 = arith.addi %add3A_430, %add3A_525 : i32
      %swap3A_527 = arith.index_cast %add3A_526 : i32 to index
      %swap3A_528 = arith.constant 16 : index
      %swap3A_529 = tpu.vector_load %arg5[%swap3A_527, %swap3A_528] {strides = array<i32>} : memref<512x88xf32, #tpu.memory_space<vmem>>, vector<16xf32>,
      tpu.vector_store %arg5[%swap3A_527, %swap3A_528], %broadcast_in_dim3A_386 {strides = array<i32>} : memref<512x88xf32, #tpu.memory_space<vmem>>, vector<16xf32>,
      %add3A_530 = arith.constant 2 : i32
      %add3A_531 = arith.addi %add3A_430, %add3A_530 : i32
      %swap3A_532 = arith.index_cast %add3A_531 : i32 to index
      %swap3A_533 = arith.constant 32 : index
      %swap3A_534 = tpu.vector_load %arg5[%swap3A_532, %swap3A_533] {strides = array<i32>} : memref<512x88xf32, #tpu.memory_space<vmem>>, vector<16xf32>,
      tpu.vector_store %arg5[%swap3A_532, %swap3A_533], %broadcast_in_dim3A_386 {strides = array<i32>} : memref<512x88xf32, #tpu.memory_space<vmem>>, vector<16xf32>,
      %add3A_535 = arith.constant 2 : i32
      %add3A_536 = arith.addi %add3A_430, %add3A_535 : i32
      %swap3A_537 = arith.index_cast %add3A_536 : i32 to index
      %swap3A_538 = arith.constant 48 : index
      %swap3A_539 = tpu.vector_load %arg5[%swap3A_537, %swap3A_538] {strides = array<i32>} : memref<512x88xf32, #tpu.memory_space<vmem>>, vector<16xf32>,
      tpu.vector_store %arg5[%swap3A_537, %swap3A_538], %broadcast_in_dim3A_386 {strides = array<i32>} : memref<512x88xf32, #tpu.memory_space<vmem>>, vector<16xf32>,
      %add3A_540 = arith.constant 2 : i32
      %add3A_541 = arith.addi %add3A_430, %add3A_540 : i32
      %swap3A_542 = arith.index_cast %add3A_541 : i32 to index
      %swap3A_543 = arith.constant 64 : index
      %swap3A_544 = tpu.vector_load %arg5[%swap3A_542, %swap3A_543] {strides = array<i32>} : memref<512x88xf32, #tpu.memory_space<vmem>>, vector<16xf32>,
      tpu.vector_store %arg5[%swap3A_542, %swap3A_543], %broadcast_in_dim3A_386 {strides = array<i32>} : memref<512x88xf32, #tpu.memory_space<vmem>>, vector<16xf32>,
      %add3A_545 = arith.constant 3 : i32
      %add3A_546 = arith.addi %add3A_430, %add3A_545 : i32
      %swap3A_547 = arith.index_cast %add3A_546 : i32 to index
      %swap3A_548 = arith.constant 0 : index
      %swap3A_549 = tpu.vector_load %arg5[%swap3A_547, %swap3A_548] {strides = array<i32>} : memref<512x88xf32, #tpu.memory_space<vmem>>, vector<16xf32>,
      tpu.vector_store %arg5[%swap3A_547, %swap3A_548], %broadcast_in_dim3A_386 {strides = array<i32>} : memref<512x88xf32, #tpu.memory_space<vmem>>, vector<16xf32>,
      %add3A_550 = arith.constant 3 : i32
      %add3A_551 = arith.addi %add3A_430, %add3A_550 : i32
      %swap3A_552 = arith.index_cast %add3A_551 : i32 to index
      %swap3A_553 = arith.constant 16 : index
      %swap3A_554 = tpu.vector_load %arg5[%swap3A_552, %swap3A_553] {strides = array<i32>} : memref<512x88xf32, #tpu.memory_space<vmem>>, vector<16xf32>,
      tpu.vector_store %arg5[%swap3A_552, %swap3A_553], %broadcast_in_dim3A_386 {strides = array<i32>} : memref<512x88xf32, #tpu.memory_space<vmem>>, vector<16xf32>,
      %add3A_555 = arith.constant 3 : i32
      %add3A_556 = arith.addi %add3A_430, %add3A_555 : i32
      %swap3A_557 = arith.index_cast %add3A_556 : i32 to index
      %swap3A_558 = arith.constant 32 : index
      %swap3A_559 = tpu.vector_load %arg5[%swap3A_557, %swap3A_558] {strides = array<i32>} : memref<512x88xf32, #tpu.memory_space<vmem>>, vector<16xf32>,
      tpu.vector_store %arg5[%swap3A_557, %swap3A_558], %broadcast_in_dim3A_386 {strides = array<i32>} : memref<512x88xf32, #tpu.memory_space<vmem>>, vector<16xf32>,
      %add3A_560 = arith.constant 3 : i32
      %add3A_561 = arith.addi %add3A_430, %add3A_560 : i32
      %swap3A_562 = arith.index_cast %add3A_561 : i32 to index
      %swap3A_563 = arith.constant 48 : index
      %swap3A_564 = tpu.vector_load %arg5[%swap3A_562, %swap3A_563] {strides = array<i32>} : memref<512x88xf32, #tpu.memory_space<vmem>>, vector<16xf32>,
      tpu.vector_store %arg5[%swap3A_562, %swap3A_563], %broadcast_in_dim3A_386 {strides = array<i32>} : memref<512x88xf32, #tpu.memory_space<vmem>>, vector<16xf32>,
      %add3A_565 = arith.constant 3 : i32
      %add3A_566 = arith.addi %add3A_430, %add3A_565 : i32
      %swap3A_567 = arith.index_cast %add3A_566 : i32 to index
      %swap3A_568 = arith.constant 64 : index
      %swap3A_569 = tpu.vector_load %arg5[%swap3A_567, %swap3A_568] {strides = array<i32>} : memref<512x88xf32, #tpu.memory_space<vmem>>, vector<16xf32>,
      tpu.vector_store %arg5[%swap3A_567, %swap3A_568], %broadcast_in_dim3A_386 {strides = array<i32>} : memref<512x88xf32, #tpu.memory_space<vmem>>, vector<16xf32>,
      %add3A_570 = arith.constant 4 : i32
      %add3A_571 = arith.addi %add3A_430, %add3A_570 : i32
      %swap3A_572 = arith.index_cast %add3A_571 : i32 to index
      %swap3A_573 = arith.constant 0 : index
      %swap3A_574 = tpu.vector_load %arg5[%swap3A_572, %swap3A_573] {strides = array<i32>} : memref<512x88xf32, #tpu.memory_space<vmem>>, vector<16xf32>,
      tpu.vector_store %arg5[%swap3A_572, %swap3A_573], %broadcast_in_dim3A_386 {strides = array<i32>} : memref<512x88xf32, #tpu.memory_space<vmem>>, vector<16xf32>,
      %add3A_575 = arith.constant 4 : i32
      %add3A_576 = arith.addi %add3A_430, %add3A_575 : i32
      %swap3A_577 = arith.index_cast %add3A_576 : i32 to index
      %swap3A_578 = arith.constant 16 : index
      %swap3A_579 = tpu.vector_load %arg5[%swap3A_577, %swap3A_578] {strides = array<i32>} : memref<512x88xf32, #tpu.memory_space<vmem>>, vector<16xf32>,
      tpu.vector_store %arg5[%swap3A_577, %swap3A_578], %broadcast_in_dim3A_386 {strides = array<i32>} : memref<512x88xf32, #tpu.memory_space<vmem>>, vector<16xf32>,
      %add3A_580 = arith.constant 4 : i32
      %add3A_581 = arith.addi %add3A_430, %add3A_580 : i32
      %swap3A_582 = arith.index_cast %add3A_581 : i32 to index
      %swap3A_583 = arith.constant 32 : index
      %swap3A_584 = tpu.vector_load %arg5[%swap3A_582, %swap3A_583] {strides = array<i32>} : memref<512x88xf32, #tpu.memory_space<vmem>>, vector<16xf32>,
      tpu.vector_store %arg5[%swap3A_582, %swap3A_583], %broadcast_in_dim3A_386 {strides = array<i32>} : memref<512x88xf32, #tpu.memory_space<vmem>>, vector<16xf32>,
      %add3A_585 = arith.constant 4 : i32
      %add3A_586 = arith.addi %add3A_430, %add3A_585 : i32
      %swap3A_587 = arith.index_cast %add3A_586 : i32 to index
      %swap3A_588 = arith.constant 48 : index
      %swap3A_589 = tpu.vector_load %arg5[%swap3A_587, %swap3A_588] {strides = array<i32>} : memref<512x88xf32, #tpu.memory_space<vmem>>, vector<16xf32>,
      tpu.vector_store %arg5[%swap3A_587, %swap3A_588], %broadcast_in_dim3A_386 {strides = array<i32>} : memref<512x88xf32, #tpu.memory_space<vmem>>, vector<16xf32>,
      %add3A_590 = arith.constant 4 : i32
      %add3A_591 = arith.addi %add3A_430, %add3A_590 : i32
      %swap3A_592 = arith.index_cast %add3A_591 : i32 to index
      %swap3A_593 = arith.constant 64 : index
      %swap3A_594 = tpu.vector_load %arg5[%swap3A_592, %swap3A_593] {strides = array<i32>} : memref<512x88xf32, #tpu.memory_space<vmem>>, vector<16xf32>,
      tpu.vector_store %arg5[%swap3A_592, %swap3A_593], %broadcast_in_dim3A_386 {strides = array<i32>} : memref<512x88xf32, #tpu.memory_space<vmem>>, vector<16xf32>,
      %add3A_595 = arith.constant 5 : i32
      %add3A_596 = arith.addi %add3A_430, %add3A_595 : i32
      %swap3A_597 = arith.index_cast %add3A_596 : i32 to index
      %swap3A_598 = arith.constant 0 : index
      %swap3A_599 = tpu.vector_load %arg5[%swap3A_597, %swap3A_598] {strides = array<i32>} : memref<512x88xf32, #tpu.memory_space<vmem>>, vector<16xf32>,
      tpu.vector_store %arg5[%swap3A_597, %swap3A_598], %broadcast_in_dim3A_386 {strides = array<i32>} : memref<512x88xf32, #tpu.memory_space<vmem>>, vector<16xf32>,
      %add3A_600 = arith.constant 5 : i32
      %add3A_601 = arith.addi %add3A_430, %add3A_600 : i32
      %swap3A_602 = arith.index_cast %add3A_601 : i32 to index
      %swap3A_603 = arith.constant 16 : index
      %swap3A_604 = tpu.vector_load %arg5[%swap3A_602, %swap3A_603] {strides = array<i32>} : memref<512x88xf32, #tpu.memory_space<vmem>>, vector<16xf32>,
      tpu.vector_store %arg5[%swap3A_602, %swap3A_603], %broadcast_in_dim3A_386 {strides = array<i32>} : memref<512x88xf32, #tpu.memory_space<vmem>>, vector<16xf32>,
      %add3A_605 = arith.constant 5 : i32
      %add3A_606 = arith.addi %add3A_430, %add3A_605 : i32
      %swap3A_607 = arith.index_cast %add3A_606 : i32 to index
      %swap3A_608 = arith.constant 32 : index
      %swap3A_609 = tpu.vector_load %arg5[%swap3A_607, %swap3A_608] {strides = array<i32>} : memref<512x88xf32, #tpu.memory_space<vmem>>, vector<16xf32>,
      tpu.vector_store %arg5[%swap3A_607, %swap3A_608], %broadcast_in_dim3A_386 {strides = array<i32>} : memref<512x88xf32, #tpu.memory_space<vmem>>, vector<16xf32>,
      %add3A_610 = arith.constant 5 : i32
      %add3A_611 = arith.addi %add3A_430, %add3A_610 : i32
      %swap3A_612 = arith.index_cast %add3A_611 : i32 to index
      %swap3A_613 = arith.constant 48 : index
      %swap3A_614 = tpu.vector_load %arg5[%swap3A_612, %swap3A_613] {strides = array<i32>} : memref<512x88xf32, #tpu.memory_space<vmem>>, vector<16xf32>,
      tpu.vector_store %arg5[%swap3A_612, %swap3A_613], %broadcast_in_dim3A_386 {strides = array<i32>} : memref<512x88xf32, #tpu.memory_space<vmem>>, vector<16xf32>,
      %add3A_615 = arith.constant 5 : i32
      %add3A_616 = arith.addi %add3A_430, %add3A_615 : i32
      %swap3A_617 = arith.index_cast %add3A_616 : i32 to index
      %swap3A_618 = arith.constant 64 : index
      %swap3A_619 = tpu.vector_load %arg5[%swap3A_617, %swap3A_618] {strides = array<i32>} : memref<512x88xf32, #tpu.memory_space<vmem>>, vector<16xf32>,
      tpu.vector_store %arg5[%swap3A_617, %swap3A_618], %broadcast_in_dim3A_386 {strides = array<i32>} : memref<512x88xf32, #tpu.memory_space<vmem>>, vector<16xf32>,
      %add3A_620 = arith.constant 6 : i32
      %add3A_621 = arith.addi %add3A_430, %add3A_620 : i32
      %swap3A_622 = arith.index_cast %add3A_621 : i32 to index
      %swap3A_623 = arith.constant 0 : index
      %swap3A_624 = tpu.vector_load %arg5[%swap3A_622, %swap3A_623] {strides = array<i32>} : memref<512x88xf32, #tpu.memory_space<vmem>>, vector<16xf32>,
      tpu.vector_store %arg5[%swap3A_622, %swap3A_623], %broadcast_in_dim3A_386 {strides = array<i32>} : memref<512x88xf32, #tpu.memory_space<vmem>>, vector<16xf32>,
      %add3A_625 = arith.constant 6 : i32
      %add3A_626 = arith.addi %add3A_430, %add3A_625 : i32
      %swap3A_627 = arith.index_cast %add3A_626 : i32 to index
      %swap3A_628 = arith.constant 16 : index
      %swap3A_629 = tpu.vector_load %arg5[%swap3A_627, %swap3A_628] {strides = array<i32>} : memref<512x88xf32, #tpu.memory_space<vmem>>, vector<16xf32>,
      tpu.vector_store %arg5[%swap3A_627, %swap3A_628], %broadcast_in_dim3A_386 {strides = array<i32>} : memref<512x88xf32, #tpu.memory_space<vmem>>, vector<16xf32>,
      %add3A_630 = arith.constant 6 : i32
      %add3A_631 = arith.addi %add3A_430, %add3A_630 : i32
      %swap3A_632 = arith.index_cast %add3A_631 : i32 to index
      %swap3A_633 = arith.constant 32 : index
      %swap3A_634 = tpu.vector_load %arg5[%swap3A_632, %swap3A_633] {strides = array<i32>} : memref<512x88xf32, #tpu.memory_space<vmem>>, vector<16xf32>,
      tpu.vector_store %arg5[%swap3A_632, %swap3A_633], %broadcast_in_dim3A_386 {strides = array<i32>} : memref<512x88xf32, #tpu.memory_space<vmem>>, vector<16xf32>,
      %add3A_635 = arith.constant 6 : i32
      %add3A_636 = arith.addi %add3A_430, %add3A_635 : i32
      %swap3A_637 = arith.index_cast %add3A_636 : i32 to index
      %swap3A_638 = arith.constant 48 : index
      %swap3A_639 = tpu.vector_load %arg5[%swap3A_637, %swap3A_638] {strides = array<i32>} : memref<512x88xf32, #tpu.memory_space<vmem>>, vector<16xf32>,
      tpu.vector_store %arg5[%swap3A_637, %swap3A_638], %broadcast_in_dim3A_386 {strides = array<i32>} : memref<512x88xf32, #tpu.memory_space<vmem>>, vector<16xf32>,
      %add3A_640 = arith.constant 6 : i32
      %add3A_641 = arith.addi %add3A_430, %add3A_640 : i32
      %swap3A_642 = arith.index_cast %add3A_641 : i32 to index
      %swap3A_643 = arith.constant 64 : index
      %swap3A_644 = tpu.vector_load %arg5[%swap3A_642, %swap3A_643] {strides = array<i32>} : memref<512x88xf32, #tpu.memory_space<vmem>>, vector<16xf32>,
      tpu.vector_store %arg5[%swap3A_642, %swap3A_643], %broadcast_in_dim3A_386 {strides = array<i32>} : memref<512x88xf32, #tpu.memory_space<vmem>>, vector<16xf32>,
      %add3A_645 = arith.constant 7 : i32
      %add3A_646 = arith.addi %add3A_430, %add3A_645 : i32
      %swap3A_647 = arith.index_cast %add3A_646 : i32 to index
      %swap3A_648 = arith.constant 0 : index
      %swap3A_649 = tpu.vector_load %arg5[%swap3A_647, %swap3A_648] {strides = array<i32>} : memref<512x88xf32, #tpu.memory_space<vmem>>, vector<16xf32>,
      tpu.vector_store %arg5[%swap3A_647, %swap3A_648], %broadcast_in_dim3A_386 {strides = array<i32>} : memref<512x88xf32, #tpu.memory_space<vmem>>, vector<16xf32>,
      %add3A_650 = arith.constant 7 : i32
      %add3A_651 = arith.addi %add3A_430, %add3A_650 : i32
      %swap3A_652 = arith.index_cast %add3A_651 : i32 to index
      %swap3A_653 = arith.constant 16 : index
      %swap3A_654 = tpu.vector_load %arg5[%swap3A_652, %swap3A_653] {strides = array<i32>} : memref<512x88xf32, #tpu.memory_space<vmem>>, vector<16xf32>,
      tpu.vector_store %arg5[%swap3A_652, %swap3A_653], %broadcast_in_dim3A_386 {strides = array<i32>} : memref<512x88xf32, #tpu.memory_space<vmem>>, vector<16xf32>,
      %add3A_655 = arith.constant 7 : i32
      %add3A_656 = arith.addi %add3A_430, %add3A_655 : i32
      %swap3A_657 = arith.index_cast %add3A_656 : i32 to index
      %swap3A_658 = arith.constant 32 : index
      %swap3A_659 = tpu.vector_load %arg5[%swap3A_657, %swap3A_658] {strides = array<i32>} : memref<512x88xf32, #tpu.memory_space<vmem>>, vector<16xf32>,
      tpu.vector_store %arg5[%swap3A_657, %swap3A_658], %broadcast_in_dim3A_386 {strides = array<i32>} : memref<512x88xf32, #tpu.memory_space<vmem>>, vector<16xf32>,
      %add3A_660 = arith.constant 7 : i32
      %add3A_661 = arith.addi %add3A_430, %add3A_660 : i32
      %swap3A_662 = arith.index_cast %add3A_661 : i32 to index
      %swap3A_663 = arith.constant 48 : index
      %swap3A_664 = tpu.vector_load %arg5[%swap3A_662, %swap3A_663] {strides = array<i32>} : memref<512x88xf32, #tpu.memory_space<vmem>>, vector<16xf32>,
      tpu.vector_store %arg5[%swap3A_662, %swap3A_663], %broadcast_in_dim3A_386 {strides = array<i32>} : memref<512x88xf32, #tpu.memory_space<vmem>>, vector<16xf32>,
      %add3A_665 = arith.constant 7 : i32
      %add3A_666 = arith.addi %add3A_430, %add3A_665 : i32
      %swap3A_667 = arith.index_cast %add3A_666 : i32 to index
      %swap3A_668 = arith.constant 64 : index
      %swap3A_669 = tpu.vector_load %arg5[%swap3A_667, %swap3A_668] {strides = array<i32>} : memref<512x88xf32, #tpu.memory_space<vmem>>, vector<16xf32>,
      tpu.vector_store %arg5[%swap3A_667, %swap3A_668], %broadcast_in_dim3A_386 {strides = array<i32>} : memref<512x88xf32, #tpu.memory_space<vmem>>, vector<16xf32>,
      %add3A_670 = arith.constant 8 : i32
      %add3A_671 = arith.addi %add3A_430, %add3A_670 : i32
      %swap3A_672 = arith.index_cast %add3A_671 : i32 to index
      %swap3A_673 = arith.constant 0 : index
      %swap3A_674 = tpu.vector_load %arg5[%swap3A_672, %swap3A_673] {strides = array<i32>} : memref<512x88xf32, #tpu.memory_space<vmem>>, vector<16xf32>,
      tpu.vector_store %arg5[%swap3A_672, %swap3A_673], %broadcast_in_dim3A_386 {strides = array<i32>} : memref<512x88xf32, #tpu.memory_space<vmem>>, vector<16xf32>,
      %add3A_675 = arith.constant 8 : i32
      %add3A_676 = arith.addi %add3A_430, %add3A_675 : i32
      %swap3A_677 = arith.index_cast %add3A_676 : i32 to index
      %swap3A_678 = arith.constant 16 : index
      %swap3A_679 = tpu.vector_load %arg5[%swap3A_677, %swap3A_678] {strides = array<i32>} : memref<512x88xf32, #tpu.memory_space<vmem>>, vector<16xf32>,
      tpu.vector_store %arg5[%swap3A_677, %swap3A_678], %broadcast_in_dim3A_386 {strides = array<i32>} : memref<512x88xf32, #tpu.memory_space<vmem>>, vector<16xf32>,
      %add3A_680 = arith.constant 8 : i32
      %add3A_681 = arith.addi %add3A_430, %add3A_680 : i32
      %swap3A_682 = arith.index_cast %add3A_681 : i32 to index
      %swap3A_683 = arith.constant 32 : index
      %swap3A_684 = tpu.vector_load %arg5[%swap3A_682, %swap3A_683] {strides = array<i32>} : memref<512x88xf32, #tpu.memory_space<vmem>>, vector<16xf32>,
      tpu.vector_store %arg5[%swap3A_682, %swap3A_683], %broadcast_in_dim3A_386 {strides = array<i32>} : memref<512x88xf32, #tpu.memory_space<vmem>>, vector<16xf32>,
      %add3A_685 = arith.constant 8 : i32
      %add3A_686 = arith.addi %add3A_430, %add3A_685 : i32
      %swap3A_687 = arith.index_cast %add3A_686 : i32 to index
      %swap3A_688 = arith.constant 48 : index
      %swap3A_689 = tpu.vector_load %arg5[%swap3A_687, %swap3A_688] {strides = array<i32>} : memref<512x88xf32, #tpu.memory_space<vmem>>, vector<16xf32>,
      tpu.vector_store %arg5[%swap3A_687, %swap3A_688], %broadcast_in_dim3A_386 {strides = array<i32>} : memref<512x88xf32, #tpu.memory_space<vmem>>, vector<16xf32>,
      %add3A_690 = arith.constant 8 : i32
      %add3A_691 = arith.addi %add3A_430, %add3A_690 : i32
      %swap3A_692 = arith.index_cast %add3A_691 : i32 to index
      %swap3A_693 = arith.constant 64 : index
      %swap3A_694 = tpu.vector_load %arg5[%swap3A_692, %swap3A_693] {strides = array<i32>} : memref<512x88xf32, #tpu.memory_space<vmem>>, vector<16xf32>,
      tpu.vector_store %arg5[%swap3A_692, %swap3A_693], %broadcast_in_dim3A_386 {strides = array<i32>} : memref<512x88xf32, #tpu.memory_space<vmem>>, vector<16xf32>,
      %add3A_695 = arith.constant 9 : i32
      %add3A_696 = arith.addi %add3A_430, %add3A_695 : i32
      %swap3A_697 = arith.index_cast %add3A_696 : i32 to index
      %swap3A_698 = arith.constant 0 : index
      %swap3A_699 = tpu.vector_load %arg5[%swap3A_697, %swap3A_698] {strides = array<i32>} : memref<512x88xf32, #tpu.memory_space<vmem>>, vector<16xf32>,
      tpu.vector_store %arg5[%swap3A_697, %swap3A_698], %broadcast_in_dim3A_386 {strides = array<i32>} : memref<512x88xf32, #tpu.memory_space<vmem>>, vector<16xf32>,
      %add3A_700 = arith.constant 9 : i32
      %add3A_701 = arith.addi %add3A_430, %add3A_700 : i32
      %swap3A_702 = arith.index_cast %add3A_701 : i32 to index
      %swap3A_703 = arith.constant 16 : index
      %swap3A_704 = tpu.vector_load %arg5[%swap3A_702, %swap3A_703] {strides = array<i32>} : memref<512x88xf32, #tpu.memory_space<vmem>>, vector<16xf32>,
      tpu.vector_store %arg5[%swap3A_702, %swap3A_703], %broadcast_in_dim3A_386 {strides = array<i32>} : memref<512x88xf32, #tpu.memory_space<vmem>>, vector<16xf32>,
      %add3A_705 = arith.constant 9 : i32
      %add3A_706 = arith.addi %add3A_430, %add3A_705 : i32
      %swap3A_707 = arith.index_cast %add3A_706 : i32 to index
      %swap3A_708 = arith.constant 32 : index
      %swap3A_709 = tpu.vector_load %arg5[%swap3A_707, %swap3A_708] {strides = array<i32>} : memref<512x88xf32, #tpu.memory_space<vmem>>, vector<16xf32>,
      tpu.vector_store %arg5[%swap3A_707, %swap3A_708], %broadcast_in_dim3A_386 {strides = array<i32>} : memref<512x88xf32, #tpu.memory_space<vmem>>, vector<16xf32>,
      %add3A_710 = arith.constant 9 : i32
      %add3A_711 = arith.addi %add3A_430, %add3A_710 : i32
      %swap3A_712 = arith.index_cast %add3A_711 : i32 to index
      %swap3A_713 = arith.constant 48 : index
      %swap3A_714 = tpu.vector_load %arg5[%swap3A_712, %swap3A_713] {strides = array<i32>} : memref<512x88xf32, #tpu.memory_space<vmem>>, vector<16xf32>,
      tpu.vector_store %arg5[%swap3A_712, %swap3A_713], %broadcast_in_dim3A_386 {strides = array<i32>} : memref<512x88xf32, #tpu.memory_space<vmem>>, vector<16xf32>,
      %add3A_715 = arith.constant 9 : i32
      %add3A_716 = arith.addi %add3A_430, %add3A_715 : i32
      %swap3A_717 = arith.index_cast %add3A_716 : i32 to index
      %swap3A_718 = arith.constant 64 : index
      %swap3A_719 = tpu.vector_load %arg5[%swap3A_717, %swap3A_718] {strides = array<i32>} : memref<512x88xf32, #tpu.memory_space<vmem>>, vector<16xf32>,
      tpu.vector_store %arg5[%swap3A_717, %swap3A_718], %broadcast_in_dim3A_386 {strides = array<i32>} : memref<512x88xf32, #tpu.memory_space<vmem>>, vector<16xf32>,
      %add3A_720 = arith.constant 10 : i32
      %add3A_721 = arith.addi %add3A_430, %add3A_720 : i32
      %swap3A_722 = arith.index_cast %add3A_721 : i32 to index
      %swap3A_723 = arith.constant 0 : index
      %swap3A_724 = tpu.vector_load %arg5[%swap3A_722, %swap3A_723] {strides = array<i32>} : memref<512x88xf32, #tpu.memory_space<vmem>>, vector<16xf32>,
      tpu.vector_store %arg5[%swap3A_722, %swap3A_723], %broadcast_in_dim3A_386 {strides = array<i32>} : memref<512x88xf32, #tpu.memory_space<vmem>>, vector<16xf32>,
      %add3A_725 = arith.constant 10 : i32
      %add3A_726 = arith.addi %add3A_430, %add3A_725 : i32
      %swap3A_727 = arith.index_cast %add3A_726 : i32 to index
      %swap3A_728 = arith.constant 16 : index
      %swap3A_729 = tpu.vector_load %arg5[%swap3A_727, %swap3A_728] {strides = array<i32>} : memref<512x88xf32, #tpu.memory_space<vmem>>, vector<16xf32>,
      tpu.vector_store %arg5[%swap3A_727, %swap3A_728], %broadcast_in_dim3A_386 {strides = array<i32>} : memref<512x88xf32, #tpu.memory_space<vmem>>, vector<16xf32>,
      %add3A_730 = arith.constant 10 : i32
      %add3A_731 = arith.addi %add3A_430, %add3A_730 : i32
      %swap3A_732 = arith.index_cast %add3A_731 : i32 to index
      %swap3A_733 = arith.constant 32 : index
      %swap3A_734 = tpu.vector_load %arg5[%swap3A_732, %swap3A_733] {strides = array<i32>} : memref<512x88xf32, #tpu.memory_space<vmem>>, vector<16xf32>,
      tpu.vector_store %arg5[%swap3A_732, %swap3A_733], %broadcast_in_dim3A_386 {strides = array<i32>} : memref<512x88xf32, #tpu.memory_space<vmem>>, vector<16xf32>,
      %add3A_735 = arith.constant 10 : i32
      %add3A_736 = arith.addi %add3A_430, %add3A_735 : i32
      %swap3A_737 = arith.index_cast %add3A_736 : i32 to index
      %swap3A_738 = arith.constant 48 : index
      %swap3A_739 = tpu.vector_load %arg5[%swap3A_737, %swap3A_738] {strides = array<i32>} : memref<512x88xf32, #tpu.memory_space<vmem>>, vector<16xf32>,
      tpu.vector_store %arg5[%swap3A_737, %swap3A_738], %broadcast_in_dim3A_386 {strides = array<i32>} : memref<512x88xf32, #tpu.memory_space<vmem>>, vector<16xf32>,
      %add3A_740 = arith.constant 10 : i32
      %add3A_741 = arith.addi %add3A_430, %add3A_740 : i32
      %swap3A_742 = arith.index_cast %add3A_741 : i32 to index
      %swap3A_743 = arith.constant 64 : index
      %swap3A_744 = tpu.vector_load %arg5[%swap3A_742, %swap3A_743] {strides = array<i32>} : memref<512x88xf32, #tpu.memory_space<vmem>>, vector<16xf32>,
      tpu.vector_store %arg5[%swap3A_742, %swap3A_743], %broadcast_in_dim3A_386 {strides = array<i32>} : memref<512x88xf32, #tpu.memory_space<vmem>>, vector<16xf32>,
      %add3A_745 = arith.constant 11 : i32
      %add3A_746 = arith.addi %add3A_430, %add3A_745 : i32
      %swap3A_747 = arith.index_cast %add3A_746 : i32 to index
      %swap3A_748 = arith.constant 0 : index
      %swap3A_749 = tpu.vector_load %arg5[%swap3A_747, %swap3A_748] {strides = array<i32>} : memref<512x88xf32, #tpu.memory_space<vmem>>, vector<16xf32>,
      tpu.vector_store %arg5[%swap3A_747, %swap3A_748], %broadcast_in_dim3A_386 {strides = array<i32>} : memref<512x88xf32, #tpu.memory_space<vmem>>, vector<16xf32>,
      %add3A_750 = arith.constant 11 : i32
      %add3A_751 = arith.addi %add3A_430, %add3A_750 : i32
      %swap3A_752 = arith.index_cast %add3A_751 : i32 to index
      %swap3A_753 = arith.constant 16 : index
      %swap3A_754 = tpu.vector_load %arg5[%swap3A_752, %swap3A_753] {strides = array<i32>} : memref<512x88xf32, #tpu.memory_space<vmem>>, vector<16xf32>,
      tpu.vector_store %arg5[%swap3A_752, %swap3A_753], %broadcast_in_dim3A_386 {strides = array<i32>} : memref<512x88xf32, #tpu.memory_space<vmem>>, vector<16xf32>,
      %add3A_755 = arith.constant 11 : i32
      %add3A_756 = arith.addi %add3A_430, %add3A_755 : i32
      %swap3A_757 = arith.index_cast %add3A_756 : i32 to index
      %swap3A_758 = arith.constant 32 : index
      %swap3A_759 = tpu.vector_load %arg5[%swap3A_757, %swap3A_758] {strides = array<i32>} : memref<512x88xf32, #tpu.memory_space<vmem>>, vector<16xf32>,
      tpu.vector_store %arg5[%swap3A_757, %swap3A_758], %broadcast_in_dim3A_386 {strides = array<i32>} : memref<512x88xf32, #tpu.memory_space<vmem>>, vector<16xf32>,
      %add3A_760 = arith.constant 11 : i32
      %add3A_761 = arith.addi %add3A_430, %add3A_760 : i32
      %swap3A_762 = arith.index_cast %add3A_761 : i32 to index
      %swap3A_763 = arith.constant 48 : index
      %swap3A_764 = tpu.vector_load %arg5[%swap3A_762, %swap3A_763] {strides = array<i32>} : memref<512x88xf32, #tpu.memory_space<vmem>>, vector<16xf32>,
      tpu.vector_store %arg5[%swap3A_762, %swap3A_763], %broadcast_in_dim3A_386 {strides = array<i32>} : memref<512x88xf32, #tpu.memory_space<vmem>>, vector<16xf32>,
      %add3A_765 = arith.constant 11 : i32
      %add3A_766 = arith.addi %add3A_430, %add3A_765 : i32
      %swap3A_767 = arith.index_cast %add3A_766 : i32 to index
      %swap3A_768 = arith.constant 64 : index
      %swap3A_769 = tpu.vector_load %arg5[%swap3A_767, %swap3A_768] {strides = array<i32>} : memref<512x88xf32, #tpu.memory_space<vmem>>, vector<16xf32>,
      tpu.vector_store %arg5[%swap3A_767, %swap3A_768], %broadcast_in_dim3A_386 {strides = array<i32>} : memref<512x88xf32, #tpu.memory_space<vmem>>, vector<16xf32>,
      %add3A_770 = arith.constant 12 : i32
      %add3A_771 = arith.addi %add3A_430, %add3A_770 : i32
      %swap3A_772 = arith.index_cast %add3A_771 : i32 to index
      %swap3A_773 = arith.constant 0 : index
      %swap3A_774 = tpu.vector_load %arg5[%swap3A_772, %swap3A_773] {strides = array<i32>} : memref<512x88xf32, #tpu.memory_space<vmem>>, vector<16xf32>,
      tpu.vector_store %arg5[%swap3A_772, %swap3A_773], %broadcast_in_dim3A_386 {strides = array<i32>} : memref<512x88xf32, #tpu.memory_space<vmem>>, vector<16xf32>,
      %add3A_775 = arith.constant 12 : i32
      %add3A_776 = arith.addi %add3A_430, %add3A_775 : i32
      %swap3A_777 = arith.index_cast %add3A_776 : i32 to index
      %swap3A_778 = arith.constant 16 : index
      %swap3A_779 = tpu.vector_load %arg5[%swap3A_777, %swap3A_778] {strides = array<i32>} : memref<512x88xf32, #tpu.memory_space<vmem>>, vector<16xf32>,
      tpu.vector_store %arg5[%swap3A_777, %swap3A_778], %broadcast_in_dim3A_386 {strides = array<i32>} : memref<512x88xf32, #tpu.memory_space<vmem>>, vector<16xf32>,
      %add3A_780 = arith.constant 12 : i32
      %add3A_781 = arith.addi %add3A_430, %add3A_780 : i32
      %swap3A_782 = arith.index_cast %add3A_781 : i32 to index
      %swap3A_783 = arith.constant 32 : index
      %swap3A_784 = tpu.vector_load %arg5[%swap3A_782, %swap3A_783] {strides = array<i32>} : memref<512x88xf32, #tpu.memory_space<vmem>>, vector<16xf32>,
      tpu.vector_store %arg5[%swap3A_782, %swap3A_783], %broadcast_in_dim3A_386 {strides = array<i32>} : memref<512x88xf32, #tpu.memory_space<vmem>>, vector<16xf32>,
      %add3A_785 = arith.constant 12 : i32
      %add3A_786 = arith.addi %add3A_430, %add3A_785 : i32
      %swap3A_787 = arith.index_cast %add3A_786 : i32 to index
      %swap3A_788 = arith.constant 48 : index
      %swap3A_789 = tpu.vector_load %arg5[%swap3A_787, %swap3A_788] {strides = array<i32>} : memref<512x88xf32, #tpu.memory_space<vmem>>, vector<16xf32>,
      tpu.vector_store %arg5[%swap3A_787, %swap3A_788], %broadcast_in_dim3A_386 {strides = array<i32>} : memref<512x88xf32, #tpu.memory_space<vmem>>, vector<16xf32>,
      %add3A_790 = arith.constant 12 : i32
      %add3A_791 = arith.addi %add3A_430, %add3A_790 : i32
      %swap3A_792 = arith.index_cast %add3A_791 : i32 to index
      %swap3A_793 = arith.constant 64 : index
      %swap3A_794 = tpu.vector_load %arg5[%swap3A_792, %swap3A_793] {strides = array<i32>} : memref<512x88xf32, #tpu.memory_space<vmem>>, vector<16xf32>,
      tpu.vector_store %arg5[%swap3A_792, %swap3A_793], %broadcast_in_dim3A_386 {strides = array<i32>} : memref<512x88xf32, #tpu.memory_space<vmem>>, vector<16xf32>,
      %add3A_795 = arith.constant 13 : i32
      %add3A_796 = arith.addi %add3A_430, %add3A_795 : i32
      %swap3A_797 = arith.index_cast %add3A_796 : i32 to index
      %swap3A_798 = arith.constant 0 : index
      %swap3A_799 = tpu.vector_load %arg5[%swap3A_797, %swap3A_798] {strides = array<i32>} : memref<512x88xf32, #tpu.memory_space<vmem>>, vector<16xf32>,
      tpu.vector_store %arg5[%swap3A_797, %swap3A_798], %broadcast_in_dim3A_386 {strides = array<i32>} : memref<512x88xf32, #tpu.memory_space<vmem>>, vector<16xf32>,
      %add3A_800 = arith.constant 13 : i32
      %add3A_801 = arith.addi %add3A_430, %add3A_800 : i32
      %swap3A_802 = arith.index_cast %add3A_801 : i32 to index
      %swap3A_803 = arith.constant 16 : index
      %swap3A_804 = tpu.vector_load %arg5[%swap3A_802, %swap3A_803] {strides = array<i32>} : memref<512x88xf32, #tpu.memory_space<vmem>>, vector<16xf32>,
      tpu.vector_store %arg5[%swap3A_802, %swap3A_803], %broadcast_in_dim3A_386 {strides = array<i32>} : memref<512x88xf32, #tpu.memory_space<vmem>>, vector<16xf32>,
      %add3A_805 = arith.constant 13 : i32
      %add3A_806 = arith.addi %add3A_430, %add3A_805 : i32
      %swap3A_807 = arith.index_cast %add3A_806 : i32 to index
      %swap3A_808 = arith.constant 32 : index
      %swap3A_809 = tpu.vector_load %arg5[%swap3A_807, %swap3A_808] {strides = array<i32>} : memref<512x88xf32, #tpu.memory_space<vmem>>, vector<16xf32>,
      tpu.vector_store %arg5[%swap3A_807, %swap3A_808], %broadcast_in_dim3A_386 {strides = array<i32>} : memref<512x88xf32, #tpu.memory_space<vmem>>, vector<16xf32>,
      %add3A_810 = arith.constant 13 : i32
      %add3A_811 = arith.addi %add3A_430, %add3A_810 : i32
      %swap3A_812 = arith.index_cast %add3A_811 : i32 to index
      %swap3A_813 = arith.constant 48 : index
      %swap3A_814 = tpu.vector_load %arg5[%swap3A_812, %swap3A_813] {strides = array<i32>} : memref<512x88xf32, #tpu.memory_space<vmem>>, vector<16xf32>,
      tpu.vector_store %arg5[%swap3A_812, %swap3A_813], %broadcast_in_dim3A_386 {strides = array<i32>} : memref<512x88xf32, #tpu.memory_space<vmem>>, vector<16xf32>,
      %add3A_815 = arith.constant 13 : i32
      %add3A_816 = arith.addi %add3A_430, %add3A_815 : i32
      %swap3A_817 = arith.index_cast %add3A_816 : i32 to index
      %swap3A_818 = arith.constant 64 : index
      %swap3A_819 = tpu.vector_load %arg5[%swap3A_817, %swap3A_818] {strides = array<i32>} : memref<512x88xf32, #tpu.memory_space<vmem>>, vector<16xf32>,
      tpu.vector_store %arg5[%swap3A_817, %swap3A_818], %broadcast_in_dim3A_386 {strides = array<i32>} : memref<512x88xf32, #tpu.memory_space<vmem>>, vector<16xf32>,
      %add3A_820 = arith.constant 14 : i32
      %add3A_821 = arith.addi %add3A_430, %add3A_820 : i32
      %swap3A_822 = arith.index_cast %add3A_821 : i32 to index
      %swap3A_823 = arith.constant 0 : index
      %swap3A_824 = tpu.vector_load %arg5[%swap3A_822, %swap3A_823] {strides = array<i32>} : memref<512x88xf32, #tpu.memory_space<vmem>>, vector<16xf32>,
      tpu.vector_store %arg5[%swap3A_822, %swap3A_823], %broadcast_in_dim3A_386 {strides = array<i32>} : memref<512x88xf32, #tpu.memory_space<vmem>>, vector<16xf32>,
      %add3A_825 = arith.constant 14 : i32
      %add3A_826 = arith.addi %add3A_430, %add3A_825 : i32
      %swap3A_827 = arith.index_cast %add3A_826 : i32 to index
      %swap3A_828 = arith.constant 16 : index
      %swap3A_829 = tpu.vector_load %arg5[%swap3A_827, %swap3A_828] {strides = array<i32>} : memref<512x88xf32, #tpu.memory_space<vmem>>, vector<16xf32>,
      tpu.vector_store %arg5[%swap3A_827, %swap3A_828], %broadcast_in_dim3A_386 {strides = array<i32>} : memref<512x88xf32, #tpu.memory_space<vmem>>, vector<16xf32>,
      %add3A_830 = arith.constant 14 : i32
      %add3A_831 = arith.addi %add3A_430, %add3A_830 : i32
      %swap3A_832 = arith.index_cast %add3A_831 : i32 to index
      %swap3A_833 = arith.constant 32 : index
      %swap3A_834 = tpu.vector_load %arg5[%swap3A_832, %swap3A_833] {strides = array<i32>} : memref<512x88xf32, #tpu.memory_space<vmem>>, vector<16xf32>,
      tpu.vector_store %arg5[%swap3A_832, %swap3A_833], %broadcast_in_dim3A_386 {strides = array<i32>} : memref<512x88xf32, #tpu.memory_space<vmem>>, vector<16xf32>,
      %add3A_835 = arith.constant 14 : i32
      %add3A_836 = arith.addi %add3A_430, %add3A_835 : i32
      %swap3A_837 = arith.index_cast %add3A_836 : i32 to index
      %swap3A_838 = arith.constant 48 : index
      %swap3A_839 = tpu.vector_load %arg5[%swap3A_837, %swap3A_838] {strides = array<i32>} : memref<512x88xf32, #tpu.memory_space<vmem>>, vector<16xf32>,
      tpu.vector_store %arg5[%swap3A_837, %swap3A_838], %broadcast_in_dim3A_386 {strides = array<i32>} : memref<512x88xf32, #tpu.memory_space<vmem>>, vector<16xf32>,
      %add3A_840 = arith.constant 14 : i32
      %add3A_841 = arith.addi %add3A_430, %add3A_840 : i32
      %swap3A_842 = arith.index_cast %add3A_841 : i32 to index
      %swap3A_843 = arith.constant 64 : index
      %swap3A_844 = tpu.vector_load %arg5[%swap3A_842, %swap3A_843] {strides = array<i32>} : memref<512x88xf32, #tpu.memory_space<vmem>>, vector<16xf32>,
      tpu.vector_store %arg5[%swap3A_842, %swap3A_843], %broadcast_in_dim3A_386 {strides = array<i32>} : memref<512x88xf32, #tpu.memory_space<vmem>>, vector<16xf32>,
      %add3A_845 = arith.constant 15 : i32
      %add3A_846 = arith.addi %add3A_430, %add3A_845 : i32
      %swap3A_847 = arith.index_cast %add3A_846 : i32 to index
      %swap3A_848 = arith.constant 0 : index
      %swap3A_849 = tpu.vector_load %arg5[%swap3A_847, %swap3A_848] {strides = array<i32>} : memref<512x88xf32, #tpu.memory_space<vmem>>, vector<16xf32>,
      tpu.vector_store %arg5[%swap3A_847, %swap3A_848], %broadcast_in_dim3A_386 {strides = array<i32>} : memref<512x88xf32, #tpu.memory_space<vmem>>, vector<16xf32>,
      %add3A_850 = arith.constant 15 : i32
      %add3A_851 = arith.addi %add3A_430, %add3A_850 : i32
      %swap3A_852 = arith.index_cast %add3A_851 : i32 to index
      %swap3A_853 = arith.constant 16 : index
      %swap3A_854 = tpu.vector_load %arg5[%swap3A_852, %swap3A_853] {strides = array<i32>} : memref<512x88xf32, #tpu.memory_space<vmem>>, vector<16xf32>,
      tpu.vector_store %arg5[%swap3A_852, %swap3A_853], %broadcast_in_dim3A_386 {strides = array<i32>} : memref<512x88xf32, #tpu.memory_space<vmem>>, vector<16xf32>,
      %add3A_855 = arith.constant 15 : i32
      %add3A_856 = arith.addi %add3A_430, %add3A_855 : i32
      %swap3A_857 = arith.index_cast %add3A_856 : i32 to index
      %swap3A_858 = arith.constant 32 : index
      %swap3A_859 = tpu.vector_load %arg5[%swap3A_857, %swap3A_858] {strides = array<i32>} : memref<512x88xf32, #tpu.memory_space<vmem>>, vector<16xf32>,
      tpu.vector_store %arg5[%swap3A_857, %swap3A_858], %broadcast_in_dim3A_386 {strides = array<i32>} : memref<512x88xf32, #tpu.memory_space<vmem>>, vector<16xf32>,
      %add3A_860 = arith.constant 15 : i32
      %add3A_861 = arith.addi %add3A_430, %add3A_860 : i32
      %swap3A_862 = arith.index_cast %add3A_861 : i32 to index
      %swap3A_863 = arith.constant 48 : index
      %swap3A_864 = tpu.vector_load %arg5[%swap3A_862, %swap3A_863] {strides = array<i32>} : memref<512x88xf32, #tpu.memory_space<vmem>>, vector<16xf32>,
      tpu.vector_store %arg5[%swap3A_862, %swap3A_863], %broadcast_in_dim3A_386 {strides = array<i32>} : memref<512x88xf32, #tpu.memory_space<vmem>>, vector<16xf32>,
      %add3A_865 = arith.constant 15 : i32
      %add3A_866 = arith.addi %add3A_430, %add3A_865 : i32
      %swap3A_867 = arith.index_cast %add3A_866 : i32 to index
      %swap3A_868 = arith.constant 64 : index
      %swap3A_869 = tpu.vector_load %arg5[%swap3A_867, %swap3A_868] {strides = array<i32>} : memref<512x88xf32, #tpu.memory_space<vmem>>, vector<16xf32>,
      tpu.vector_store %arg5[%swap3A_867, %swap3A_868], %broadcast_in_dim3A_386 {strides = array<i32>} : memref<512x88xf32, #tpu.memory_space<vmem>>, vector<16xf32>,
      %add3A_870 = arith.constant 0 : i32
      %add3A_871 = arith.addi %add3A_430, %add3A_870 : i32
      %add3A_872 = vector.broadcast %add3A_871 : i32 to vector<16xi32>
      %add3A_873 = arith.addi %add3A_872, %select_n3A : vector<16xi32>
      tpu.vector_store_idx %arg5[%add3A_873, %add3A_418], %broadcast_in_dim3A_386 : memref<512x88xf32, #tpu.memory_space<vmem>>[vector<16xi32>, vector<16xi32>], vector<16xf32>,
      %add3A_874 = arith.constant 2 : i32
      %add3A_875 = arith.addi %add3A_430, %add3A_874 : i32
      %add3A_876 = vector.broadcast %add3A_875 : i32 to vector<16xi32>
      %add3A_877 = arith.addi %add3A_876, %select_n3A : vector<16xi32>
      tpu.vector_store_idx %arg5[%add3A_877, %add3A_418], %broadcast_in_dim3A_386 : memref<512x88xf32, #tpu.memory_space<vmem>>[vector<16xi32>, vector<16xi32>], vector<16xf32>,
      %add3A_878 = arith.constant 4 : i32
      %add3A_879 = arith.addi %add3A_430, %add3A_878 : i32
      %add3A_880 = vector.broadcast %add3A_879 : i32 to vector<16xi32>
      %add3A_881 = arith.addi %add3A_880, %select_n3A : vector<16xi32>
      tpu.vector_store_idx %arg5[%add3A_881, %add3A_418], %broadcast_in_dim3A_386 : memref<512x88xf32, #tpu.memory_space<vmem>>[vector<16xi32>, vector<16xi32>], vector<16xf32>,
      %add3A_882 = arith.constant 6 : i32
      %add3A_883 = arith.addi %add3A_430, %add3A_882 : i32
      %add3A_884 = vector.broadcast %add3A_883 : i32 to vector<16xi32>
      %add3A_885 = arith.addi %add3A_884, %select_n3A : vector<16xi32>
      tpu.vector_store_idx %arg5[%add3A_885, %add3A_418], %broadcast_in_dim3A_386 : memref<512x88xf32, #tpu.memory_space<vmem>>[vector<16xi32>, vector<16xi32>], vector<16xf32>,
      %add3A_886 = arith.constant 8 : i32
      %add3A_887 = arith.addi %add3A_430, %add3A_886 : i32
      %add3A_888 = vector.broadcast %add3A_887 : i32 to vector<16xi32>
      %add3A_889 = arith.addi %add3A_888, %select_n3A : vector<16xi32>
      tpu.vector_store_idx %arg5[%add3A_889, %add3A_418], %broadcast_in_dim3A_386 : memref<512x88xf32, #tpu.memory_space<vmem>>[vector<16xi32>, vector<16xi32>], vector<16xf32>,
      %add3A_890 = arith.constant 10 : i32
      %add3A_891 = arith.addi %add3A_430, %add3A_890 : i32
      %add3A_892 = vector.broadcast %add3A_891 : i32 to vector<16xi32>
      %add3A_893 = arith.addi %add3A_892, %select_n3A : vector<16xi32>
      tpu.vector_store_idx %arg5[%add3A_893, %add3A_418], %broadcast_in_dim3A_386 : memref<512x88xf32, #tpu.memory_space<vmem>>[vector<16xi32>, vector<16xi32>], vector<16xf32>,
      %add3A_894 = arith.constant 12 : i32
      %add3A_895 = arith.addi %add3A_430, %add3A_894 : i32
      %add3A_896 = vector.broadcast %add3A_895 : i32 to vector<16xi32>
      %add3A_897 = arith.addi %add3A_896, %select_n3A : vector<16xi32>
      tpu.vector_store_idx %arg5[%add3A_897, %add3A_418], %broadcast_in_dim3A_386 : memref<512x88xf32, #tpu.memory_space<vmem>>[vector<16xi32>, vector<16xi32>], vector<16xf32>,
      %add3A_898 = arith.constant 14 : i32
      %add3A_899 = arith.addi %add3A_430, %add3A_898 : i32
      %add3A_900 = vector.broadcast %add3A_899 : i32 to vector<16xi32>
      %add3A_901 = arith.addi %add3A_900, %select_n3A : vector<16xi32>
      tpu.vector_store_idx %arg5[%add3A_901, %add3A_418], %broadcast_in_dim3A_386 : memref<512x88xf32, #tpu.memory_space<vmem>>[vector<16xi32>, vector<16xi32>], vector<16xf32>,
      tpu.vector_store_idx %arg5[%add3A_441, %gather3A], %broadcast_in_dim3A_388 {add = true} : memref<512x88xf32, #tpu.memory_space<vmem>>[vector<16xi32>, vector<16xi32>], vector<16xf32>,
      tpu.vector_store_idx %arg5[%add3A_441, %gather3A_446], %broadcast_in_dim3A_388 {add = true} : memref<512x88xf32, #tpu.memory_space<vmem>>[vector<16xi32>, vector<16xi32>], vector<16xf32>,
      tpu.vector_store_idx %arg5[%add3A_441, %gather3A_449], %broadcast_in_dim3A_388 {add = true} : memref<512x88xf32, #tpu.memory_space<vmem>>[vector<16xi32>, vector<16xi32>], vector<16xf32>,
      tpu.vector_store_idx %arg5[%add3A_441, %gather3A_452], %broadcast_in_dim3A_388 {add = true} : memref<512x88xf32, #tpu.memory_space<vmem>>[vector<16xi32>, vector<16xi32>], vector<16xf32>,
      tpu.vector_store_idx %arg5[%add3A_441, %gather3A_455], %broadcast_in_dim3A_388 {add = true} : memref<512x88xf32, #tpu.memory_space<vmem>>[vector<16xi32>, vector<16xi32>], vector<16xf32>,
      tpu.vector_store_idx %arg5[%add3A_441, %gather3A_458], %broadcast_in_dim3A_388 {add = true} : memref<512x88xf32, #tpu.memory_space<vmem>>[vector<16xi32>, vector<16xi32>], vector<16xf32>,
      tpu.vector_store_idx %arg5[%add3A_441, %gather3A_461], %broadcast_in_dim3A_388 {add = true} : memref<512x88xf32, #tpu.memory_space<vmem>>[vector<16xi32>, vector<16xi32>], vector<16xf32>,
      tpu.vector_store_idx %arg5[%add3A_441, %gather3A_464], %broadcast_in_dim3A_388 {add = true} : memref<512x88xf32, #tpu.memory_space<vmem>>[vector<16xi32>, vector<16xi32>], vector<16xf32>,
      tpu.vector_store_idx %arg5[%add3A_441, %gather3A_467], %broadcast_in_dim3A_388 {add = true} : memref<512x88xf32, #tpu.memory_space<vmem>>[vector<16xi32>, vector<16xi32>], vector<16xf32>,
      tpu.vector_store_idx %arg5[%add3A_441, %gather3A_470], %broadcast_in_dim3A_388 {add = true} : memref<512x88xf32, #tpu.memory_space<vmem>>[vector<16xi32>, vector<16xi32>], vector<16xf32>,
      %add3A_902 = arith.addi %mul3A_2, %add3A_430 : i32
      %dma_start3A_903 = arith.constant 0 : i32
      %dma_start3A_904 = tpu.memref_slice %arg5[%add3A_430, %dma_start3A_903] : memref<512x88xf32, #tpu.memory_space<vmem>> -> memref<16x88xf32, #tpu.memory_space<vmem>>
      %dma_start3A_905 = arith.constant 0 : i32
      %dma_start3A_906 = tpu.memref_slice %arg3[%add3A_902, %dma_start3A_905] : memref<16384x88xf32, #tpu.memory_space<hbm>> -> memref<16x88xf32, #tpu.memory_space<hbm>>
      %dma_start3A_907 = arith.constant 0 : i32
      %dma_start3A_908 = tpu.memref_slice %arg3[%add3A_902, %dma_start3A_907] : memref<16384x88xf32, #tpu.memory_space<hbm>> -> memref<16x88xf32, #tpu.memory_space<hbm>>
      %dma_start3A_909 = arith.constant 0 : i32
      %dma_start3A_910 = tpu.memref_slice %arg5[%add3A_430, %dma_start3A_909] : memref<512x88xf32, #tpu.memory_space<vmem>> -> memref<16x88xf32, #tpu.memory_space<vmem>>
      tpu.enqueue_dma source(%dma_start3A_910 : memref<16x88xf32, #tpu.memory_space<vmem>>) target(%dma_start3A_908 : memref<16x88xf32, #tpu.memory_space<hbm>>) target_semaphore(%arg7 : memref<!tpu.dma_semaphore, #tpu.memory_space<semaphore_mem>>)
    }
    %scan3A_422 = arith.constant 32 : i32
    %dma_wait3A = arith.constant 0 : i32
    %dma_wait3A_423 = tpu.memref_slice %arg3[%mul3A_2, %dma_wait3A] : memref<16384x88xf32, #tpu.memory_space<hbm>> -> memref<512x88xf32, #tpu.memory_space<hbm>>
    %dma_wait3A_424 = arith.constant 0 : i32
    %dma_wait3A_425 = tpu.memref_slice %arg3[%mul3A_2, %dma_wait3A_424] : memref<16384x88xf32, #tpu.memory_space<hbm>> -> memref<512x88xf32, #tpu.memory_space<hbm>>
    tpu.wait_dma2 semaphore(%arg7 : memref<!tpu.dma_semaphore, #tpu.memory_space<semaphore_mem>>) src(%arg5 : memref<512x88xf32, #tpu.memory_space<vmem>>) dst(%dma_wait3A_425 : memref<512x88xf32, #tpu.memory_space<hbm>>)
    return
  }
}

</mosaic_0001>

<sc_bundles>
// kernel: _multi_hot_sc.3.cloned.1.call-start
scs
__scs_entry_jumppad:
0x0: {  	(pc) =	sbr.rel $0x88, $3  }
0x1: {  	(tag) =	ssettag $0x0;
	lr =	simm.s32 $0x1  }
0x2: {  	[smem:$0x3FA0] =	sst lr;
	_ =	strace $0xD0000000  }
0x3: {  	_ = 	snop  }
0x4: {  	_ = 	snop  }
0x5: {  	_ = 	snop  }
0x6: {  	_ = 	snop  }
0x7: {  	_ = 	snop  }
__scs_overlays_trampoline_lowered:
0x8: {  	[smem:$0x3FAF] =	sst s0  }
0x9: {  	[smem:$0x3FB0] =	sst s1  }
0xa: {  	[smem:$0x3FB1] =	sst s2  }
0xb: {  	[smem:$0x3FB2] =	sst s3  }
0xc: {  	[smem:$0x3FB3] =	sst s4  }
0xd: {  	[smem:$0x3FB4] =	sst s5  }
0xe: {  	[smem:$0x3FB5] =	sst s6  }
0xf: {  	[smem:$0x3FB6] =	sst s7  }
0x10: {  	[smem:$0x3FB7] =	sst s8  }
0x11: {  	[smem:$0x3FB8] =	sst s9;
	s0 =	simm.s32 @!p0 $0x0  }
0x12: {  	s1 =	sld [smem:$0x3F9E];
	s0 =	simm.s32 @p0 $0x1  }
0x13: {  	[smem:$0x3FB9] =	sst s0;
	s0 =	simm.s32 @!p1 $0x0  }
0x14: {  	s2 =	sld [smem:$0x3F9D];
	s0 =	simm.s32 @p1 $0x1  }
0x15: {  	[smem:$0x3FBA] =	sst s0;
	s0 =	simm.s32 @!p2 $0x0  }
0x16: {  	s3 =	sld [smem:$0x3FDB];
	s0 =	simm.s32 @p2 $0x1  }
0x17: {  	s4 =	simm.s32 $0x1BF5;
	[smem:$0x3FBC] =	sst s0  }
0x18: {  	s0 =	sld [smem:$0x3F9F];
	_ =	swait.ge [sflag:s4], $0x0  }
0x19: {  	s7 =	sld [smem:$0x3FA0]  }
0x1a: {  	s8 =	sadd.s32 $0xFFFFE003, lr  }
0x1b: {  	s9 =	sadd.s32 $0xFFFFFEF7, lr;
	s5 =	simm.s32 $0xFFFFFFFF;
	p2 =	slt.u32 s8, $0xFFFFF086  }
0x1c: {  	p1 =	slt.u32 s9, $0xF7A;
	s5 =	simm.s32 @!p2 $0x0  }
0x1d: {  	s5 =	simm.s32 @p1 $0x1;
	p0 =	seq.s32 s7, s2  }
0x1e: {  	s7 =	smul.u32 @!p0 $0xF7A, s2;
	p2 =	seq.s32 @!p0 s5, $0x0  }
0x1f: {  	s9 =	smul.u32 $0xF7A, s1;
	s8 =	simm.s32 @!p0 $0x1BF5;
	p2 =	por !p2, p0  }
0x20: {  	[sflag:s8] =	ssyncset.s32 @!p0 $0xFFFFF086;
	s6 =	sadd.s32 @!p0 s3, s7;
	s7 =	simm.s32 @!p0 $0x108  }
0x21: {  	s3 =	sadd.s32 s3, s9;
	s6 =	sadd.s32 @!p0 $0x88, s6;
	s7 =	simm.s32 @p2 $0x1082  }
0x22: {  	[simem:s7], [sflag:s8] =	dma.local @!p0 [hbm:s6], $0xF7A  }
0x23: {  	s9 =	sor.u32 $0xD0000000, s2;
	s6 =	simm.s32 $0x108;
	_ =	swait.ge @!p0 [sflag:s8], $0x0  }
0x24: {  	s3 =	sadd.s32 $0x88, s3;
	s6 =	simm.s32 @!p1 $0x1082;
	[sflag:s4] =	ssyncset.s32 $0xFFFFF086  }
0x25: {  	[simem:s6], [sflag:s4] =	dma.local [hbm:s3], $0xF7A  }
0x26: {  	[smem:$0x3FA0] =	sst s1;
	(tag) =	ssettag s2;
	_ =	strace s9  }
0x27: {  	s1 =	sld [smem:$0x3FB0]  }
0x28: {  	s2 =	sld [smem:$0x3FB1]  }
0x29: {  	s4 =	sld [smem:$0x3FB3]  }
0x2a: {  	p0 =	seq.s32 s5, $0x0;
	s5 =	sld [smem:$0x3FB4]  }
0x2b: {  	s6 =	sld [smem:$0x3FB5]  }
0x2c: {  	s7 =	sld [smem:$0x3FB6]  }
0x2d: {  	s3 =	simm.s32 $0x108;
	s8 =	sld [smem:$0x3FB7]  }
0x2e: {  	s3 =	simm.s32 @!p0 $0x1082;
	s9 =	sld [smem:$0x3FB8]  }
0x2f: {  	lr =	sadd.s32 s0, s3;
	s0 =	sld [smem:$0x3FAF]  }
0x30: {  	s3 =	sld [smem:$0x3FB2]  }
0x31: {  	[smem:$0x3FBB] =	sst s10  }
0x32: {  	s10 =	sld [smem:$0x3FB9];
	_ =	sdelay $0x3  }
0x33: {  	p0 =	seq.s32 s10, $0x1;
	s10 =	sld [smem:$0x3FBB];
	_ =	sdelay $0x3  }
0x34: {  	[smem:$0x3FBB] =	sst s10  }
0x35: {  	s10 =	sld [smem:$0x3FBA];
	_ =	sdelay $0x3  }
0x36: {  	p1 =	seq.s32 s10, $0x1;
	s10 =	sld [smem:$0x3FBB];
	_ =	sdelay $0x3  }
0x37: {  	[smem:$0x3FBB] =	sst s10  }
0x38: {  	s10 =	sld [smem:$0x3FBC]  }
0x39: {  	_ = 	snop;
	(pc) =	sbr.ind lr, $3  }
0x3a: {  	_ = 	snop  }
0x3b: {  	_ = 	snop  }
0x3c: {  	p2 =	seq.s32 s10, $0x1;
	s10 =	sld [smem:$0x3FBB]  }
0x3d: {  	_ =	shalt  }
0x3e: {  	_ =	shalt  }
0x3f: {  	_ =	shalt  }
0x40: {  	_ =	shalt  }
0x41: {  	_ =	shalt  }
0x42: {  	_ =	shalt  }
0x43: {  	_ =	shalt  }
0x44: {  	_ =	shalt  }
0x45: {  	_ =	shalt  }
0x46: {  	_ =	shalt  }
0x47: {  	_ =	shalt  }
0x48: {  	_ =	shalt  }
0x49: {  	_ =	shalt  }
0x4a: {  	_ =	shalt  }
0x4b: {  	_ =	shalt  }
0x4c: {  	_ =	shalt  }
0x4d: {  	_ =	shalt  }
0x4e: {  	_ =	shalt  }
0x4f: {  	_ =	shalt  }
0x50: {  	_ =	shalt  }
0x51: {  	_ =	shalt  }
0x52: {  	_ =	shalt  }
0x53: {  	_ =	shalt  }
0x54: {  	_ =	shalt  }
0x55: {  	_ =	shalt  }
0x56: {  	_ =	shalt  }
0x57: {  	_ =	shalt  }
0x58: {  	_ =	shalt  }
0x59: {  	_ =	shalt  }
0x5a: {  	_ =	shalt  }
0x5b: {  	_ =	shalt  }
0x5c: {  	_ =	shalt  }
0x5d: {  	_ =	shalt  }
0x5e: {  	_ =	shalt  }
0x5f: {  	_ =	shalt  }
0x60: {  	_ =	shalt  }
0x61: {  	_ =	shalt  }
0x62: {  	_ =	shalt  }
0x63: {  	_ =	shalt  }
0x64: {  	_ =	shalt  }
0x65: {  	_ =	shalt  }
0x66: {  	_ =	shalt  }
0x67: {  	_ =	shalt  }
0x68: {  	_ =	shalt  }
0x69: {  	_ =	shalt  }
0x6a: {  	_ =	shalt  }
0x6b: {  	_ =	shalt  }
0x6c: {  	_ =	shalt  }
0x6d: {  	_ =	shalt  }
0x6e: {  	_ =	shalt  }
0x6f: {  	_ =	shalt  }
0x70: {  	_ =	shalt  }
0x71: {  	_ =	shalt  }
0x72: {  	_ =	shalt  }
0x73: {  	_ =	shalt  }
0x74: {  	_ =	shalt  }
0x75: {  	_ =	shalt  }
0x76: {  	_ =	shalt  }
0x77: {  	_ =	shalt  }
0x78: {  	_ =	shalt  }
0x79: {  	_ =	shalt  }
0x7a: {  	_ =	shalt  }
0x7b: {  	_ =	shalt  }
0x7c: {  	_ =	shalt  }
0x7d: {  	_ =	shalt  }
0x7e: {  	_ =	shalt  }
0x7f: {  	_ =	shalt  }
0x80: {  	_ =	shalt  }
0x81: {  	_ =	shalt  }
0x82: {  	_ =	shalt  }
0x83: {  	_ =	shalt  }
0x84: {  	_ =	shalt  }
0x85: {  	_ =	shalt  }
0x86: {  	_ =	shalt  }
0x87: {  	_ =	shalt  }
.Lfunc_end0:
.L_simem_size_0:
called_computation_lowered:
.L_overlay_start_0:
0x88: {  	s2 =	sld [smem:$0x3FD9]  }
0x89: {  	s3 =	sld [smem:$0x3FFE];
	_ =	sdelay $0x1  }
0x8a: {  	s1 =	srdreg.scid  }
0x8b: {  	s0 =	sand.u32 $0x1, s1  }
0x8c: {  	s16 =	sshll.u32 s0, $0xA;
	s2 =	sadd.s32 s3, s2  }
0x8d: {  	s2 =	sadd.s32 s2, s16  }
0x8e: {  	[smem:$0x3FC7] =	sst s2  }
0x8f: {  	_ = 	snop  }
0x90: {  	(tm) =	ssettm $0x1  }
0x91: {  	s17 =	sld [smem:$0x3FFB];
	_ =	sdelay $0x3  }
0x92: {  	_ =	strace s17  }
0x93: {  	s2 =	sld [smem:$0x3FFC];
	_ =	sdelay $0x3  }
0x94: {  	_ =	strace s2  }
0x95: {  	s2 =	sld [smem:$0x3FFD];
	_ =	sdelay $0x3  }
0x96: {  	_ =	strace s2  }
0x97: {  	_ =	strace $0x8FFFFFFF  }
0x98: {  	s18 =	sld [smem:$0x3FDB];
	_ =	sdelay $0x1  }
0x99: {  	s19 =	simm.s32 $_scs_section_size  }
0x9a: {  	s4 =	simm.s32 $_size__tile_overlayer_lowered;
	s5 =	simm.s32 $_tile_overlayer_lowered  }
0x9b: {  	s22 =	simm.s32 $0x1BFF;
	s21 =	sshll.u32 s5, $0x1;
	s2 =	sadd.s32 s19, s18  }
0x9c: {  	s6 =	simm.s32 $0x0;
	s20 =	sshll.u32 s4, $0x1;
	s4 =	sadd.s32 s21, s2  }
0x9d: {  	[timem:s6], [sflag:s22] =	dma.local [hbm:s4], s20  }
0x9e: {  	_ =	swait.ge [sflag:s22], s20  }
0x9f: {  	s3 =	ssub.s32 $0x0, s20;
	[sflag:s22] =	ssyncset.done $0x0  }
0xa0: {  	[sflag:s22] =	ssyncadd.s32 s3;
	_ =	sdelay $0x1  }
0xa1: {  	s23 =	simm.s32 $0x1B8B  }
0xa2: {  	_ =	swait.ge [sflag:s23], $0x1  }
0xa3: {  	[sflag:s23] =	ssyncset.done $0x0  }
0xa4: {  	s25 =	simm.s32 $0x1B8E;
	s24 =	sld [smem:$0x3FFE];
	[sflag:s23] =	ssyncadd.s32 $0xFFFFFFFF  }
0xa5: {  	s26 =	simm.s32 $execute0_lowered;
	[smem:$0x3FD2] =	sst s25  }
0xa6: {  	s4 =	sshll.u32 s26, $0x1;
	_ =	strace $0x80000046;
	[dreg:$0x1] =	wrdreg $0xFFFFFFFF  }
0xa7: {  	s28 =	simm.s32 $_size_execute0_lowered;
	s2 =	sadd.s32 s2, s4;
	[dreg:$0x0] =	wrdreg $0x0  }
0xa8: {  	s4 =	sshll.u32 s28, $0x1;
	[dreg:$0x2] =	wrdreg s2  }
0xa9: {  	[dreg:$0x3] =	wrdreg s4  }
0xaa: {  	[dreg:$0x4] =	wrdreg $0xC0  }
0xab: {  	_ =	task [dreg:s6], $0x5FFFF  }
0xac: {  	[dreg:$0x1] =	wrdreg $0xFFFFFFFF  }
0xad: {  	[dreg:$0x0] =	wrdreg $0x60  }
0xae: {  	[dreg:$0x2] =	wrdreg s24  }
0xaf: {  	[dreg:$0x3] =	wrdreg $0x9  }
0xb0: {  	_ =	task.clear_ibuf [dreg:s6], $0x4FFFF;
	_ =	strace $0x90000046  }
0xb1: {  	s29 =	simm.s32 $0x9;
	_ =	strace $0x80000048  }
0xb2: {  	_ =	swait.ge [sflag:s29], $0x1  }
0xb3: {  	[sflag:s29] =	ssyncadd.s32 $0xFFFFFFFF  }
0xb4: {  	_ =	strace $0x90000048  }
0xb5: {  	_ =	sfence  }
0xb6: {  	s30 =	sld [smem:$0x0];
	_ =	sdelay $0x2  }
0xb7: {  	s31 =	sshll.u32 s1, $0xD;
	s1 =	sshrl.u32 s1, $0x2  }
0xb8: {  	s3 =	sand.u32 $0x4000, s31;
	s1 =	sadd.s32 s1, s30  }
0xb9: {  	s0 =	sor.u32 s3, s0;
	s1 =	sshll.u32 s1, $0x11  }
0xba: {  	s0 =	sor.u32 s1, s0  }
0xbb: {  	s0 =	sadd.s32 $0x8F2B, s0  }
0xbc: {  	[sflag:s0] =	ssyncadd.remote.s32 $0x1  }
0xbd: {  	_ =	sfence.sel $0xFFFF  }
0xbe: {  	[dreg:$0x0] =	wrdreg $0xFFFFFFFF;
	(pc) =	sbr.abs _section_cstart, $3  }
0xbf: {  	[dreg:$0x1] =	wrdreg $0xFFFFFFFF  }
0xc0: {  	_ =	task.clear_ibuf [dreg:s6], $0x2FFFF;
	_ =	strace $0x9FFFFFFF  }
0xc1: {  	(tm) =	ssettm $0x7FFFFFFF  }
tec
execute0_lowered:
.L_overlay_start_1:
0x0: {  	(tag) =	ssettag $0x1  }
0x1: {  	s1 =	srdreg.scid  }
0x2: {  	s3 =	stileid.u32;
	s1 =	sand.u32 $0x1, s1  }
0x3: {  	s3 =	sshll.u32 s3, $0xE;
	s4 =	sshll.u32 s1, $0xD  }
0x4: {  	s0 =	rddreg [dreg:$0x0];
	s2 =	simm.s32 $0x0;
	s5 =	sor.u32 s4, s3  }
0x5: {  	s8 =	simm.s32 $0x10000;
	s9 =	simm.s32 $0x2;
	s5 =	sadd.s32 s5, s0  }
0x6: {  	s10 =	simm.s32 $0x0;
	[smem:$0x7FF] =	sst s2;
	s13 =	sadd.s32 $0x400, s5  }
0x7: {  	_ =	strace $0x80000047;
	s14 =	sadd.s32 $0x500, s5;
	[dreg:$0x2] =	wrdreg s13  }
0x8: {  	s1 =	ssub.s32 $0x2, s1;
	s15 =	sadd.s32 $0x600, s5;
	[dreg:$0x3] =	wrdreg s14  }
0x9: {  	s6 =	sshrl.u32 s1, $0x1;
	s16 =	sadd.s32 $0x700, s5;
	[dreg:$0x4] =	wrdreg s15  }
0xa: {  	s0 =	sadd.s32 s3, s0;
	s17 =	sadd.s32 $0x800, s5;
	[dreg:$0x5] =	wrdreg s16  }
0xb: {  	s6 =	ssub.s32 s1, s6;
	s18 =	sadd.s32 $0x900, s5;
	[dreg:$0x6] =	wrdreg s17  }
0xc: {  	s19 =	sadd.s32 $0xA00, s5;
	s20 =	sadd.s32 $0xB00, s5;
	[dreg:$0x7] =	wrdreg s18  }
0xd: {  	s21 =	sadd.s32 $0xC00, s5;
	s22 =	sadd.s32 $0xD00, s5;
	[dreg:$0x8] =	wrdreg s19  }
0xe: {  	s23 =	sadd.s32 $0xE00, s5;
	s24 =	sadd.s32 $0xF00, s5;
	[dreg:$0x9] =	wrdreg s20  }
0xf: {  	s25 =	sadd.s32 $0x1000, s5;
	s26 =	sadd.s32 $0x1100, s5;
	[dreg:$0xa] =	wrdreg s21  }
0x10: {  	s7 =	sadd.s32 s4, s0;
	s28 =	sadd.s32 $0x1C00, s5;
	[dreg:$0xb] =	wrdreg s22  }
0x11: {  	s29 =	sadd.s32 $0x1D00, s5;
	s30 =	sadd.s32 $0x1E00, s5;
	[dreg:$0xc] =	wrdreg s23  }
0x12: {  	s31 =	sadd.s32 $0x1F00, s5;
	s0 =	sadd.s32 $0x2000, s5;
	[dreg:$0xd] =	wrdreg s24  }
0x13: {  	s1 =	sadd.s32 $0x2100, s5;
	s3 =	sadd.s32 $0x2200, s5;
	[dreg:$0xe] =	wrdreg s25  }
0x14: {  	s4 =	sadd.s32 $0x2300, s5;
	[dreg:$0xf] =	wrdreg s26;
	s17 =	sadd.s32 $0x1200, s5  }
0x15: {  	s18 =	sadd.s32 $0x1300, s5;
	s19 =	sadd.s32 $0x1400, s5;
	s20 =	sadd.s32 $0x1500, s5  }
0x16: {  	v2 =	vlaneseq.u32;
	v4 =	vimm.f32 $1.000000000e+00;
	s21 =	sadd.s32 $0x1600, s5;
	s22 =	sadd.s32 $0x1700, s5;
	s23 =	sadd.s32 $0x1800, s5  }
0x17: {  	v1 =	vshrl.u32 v2, $0x3;
	v0 =	vmul.u32 $0x80, v2;
	v3 =	vand.u32 $0x7, v2;
	s24 =	sadd.s32 $0x1900, s5;
	s25 =	sadd.s32 $0x1A00, s5;
	s26 =	sadd.s32 $0x1B00, s5  }
0x18: {  	v2 =	vimm.f32 $0.0e+00;
	v1 =	vmul.u32 $0x80, v1;
	v3 =	vor.u32 $0x50, v3;
	s5 =	smax.u32 s6, $0x1;
	s13 =	sadd.s32 $0x40400, s7;
	s7 =	simm.s32 $0x1  }
.LBB2_1:
0x19: {  	s6 =	rddreg [dreg:$0x2]  }
0x1a: {  	[tilespmem:s2], [sflag:$0x1] =	stream.linear.gather [hbm4b:s6+s2], $0x800, $0x38;
	v63 =	vld [tilespmem:$0x0]  }
0x1b: {  	s14 =	rddreg [dreg:$0x3];
	s11 =	simm.s32 $0x800  }
0x1c: {  	[tilespmem:s11], [sflag:$0x1] =	stream.linear.gather [hbm4b:s14+s2], $0x800, $0x38;
	v63 =	vld [tilespmem:$0x0]  }
0x1d: {  	s15 =	rddreg [dreg:$0x4];
	s16 =	simm.s32 $0x1000  }
0x1e: {  	[tilespmem:s16], [sflag:$0x1] =	stream.linear.gather [hbm4b:s15+s2], $0x800, $0x38;
	v63 =	vld [tilespmem:$0x0]  }
0x1f: {  	s12 =	rddreg [dreg:$0x5];
	s14 =	simm.s32 $0x1800  }
0x20: {  	[tilespmem:s14], [sflag:$0x1] =	stream.linear.gather [hbm4b:s12+s2], $0x800, $0x38;
	v63 =	vld [tilespmem:$0x0]  }
0x21: {  	s15 =	rddreg [dreg:$0x6];
	s16 =	simm.s32 $0x2000  }
0x22: {  	[tilespmem:s16], [sflag:$0x1] =	stream.linear.gather [hbm4b:s15+s2], $0x800, $0x38;
	v63 =	vld [tilespmem:$0x0]  }
0x23: {  	s12 =	rddreg [dreg:$0x7];
	s14 =	simm.s32 $0x2800  }
0x24: {  	[tilespmem:s14], [sflag:$0x1] =	stream.linear.gather [hbm4b:s12+s2], $0x800, $0x38;
	v63 =	vld [tilespmem:$0x0]  }
0x25: {  	s15 =	rddreg [dreg:$0x8];
	s16 =	simm.s32 $0x3000  }
0x26: {  	[tilespmem:s16], [sflag:$0x1] =	stream.linear.gather [hbm4b:s15+s2], $0x800, $0x38;
	v63 =	vld [tilespmem:$0x0]  }
0x27: {  	s12 =	rddreg [dreg:$0x9];
	s14 =	simm.s32 $0x3800  }
0x28: {  	[tilespmem:s14], [sflag:$0x1] =	stream.linear.gather [hbm4b:s12+s2], $0x800, $0x38;
	v63 =	vld [tilespmem:$0x0]  }
0x29: {  	s15 =	rddreg [dreg:$0xa];
	s16 =	simm.s32 $0x4000  }
0x2a: {  	[tilespmem:s16], [sflag:$0x1] =	stream.linear.gather [hbm4b:s15+s2], $0x800, $0x38;
	v63 =	vld [tilespmem:$0x0]  }
0x2b: {  	s12 =	rddreg [dreg:$0xb];
	s14 =	simm.s32 $0x4800  }
0x2c: {  	[tilespmem:s14], [sflag:$0x1] =	stream.linear.gather [hbm4b:s12+s2], $0x800, $0x38;
	v63 =	vld [tilespmem:$0x0]  }
0x2d: {  	s15 =	rddreg [dreg:$0xc];
	s16 =	simm.s32 $0x5000  }
0x2e: {  	[tilespmem:s16], [sflag:$0x1] =	stream.linear.gather [hbm4b:s15+s2], $0x800, $0x38;
	v63 =	vld [tilespmem:$0x0]  }
0x2f: {  	s12 =	rddreg [dreg:$0xd];
	s14 =	simm.s32 $0x5800  }
0x30: {  	[tilespmem:s14], [sflag:$0x1] =	stream.linear.gather [hbm4b:s12+s2], $0x800, $0x38;
	v63 =	vld [tilespmem:$0x0]  }
0x31: {  	s15 =	rddreg [dreg:$0xe];
	s16 =	simm.s32 $0x6000  }
0x32: {  	[tilespmem:s16], [sflag:$0x1] =	stream.linear.gather [hbm4b:s15+s2], $0x800, $0x38;
	v63 =	vld [tilespmem:$0x0]  }
0x33: {  	s11 =	rddreg [dreg:$0xf];
	s12 =	simm.s32 $0x6800  }
0x34: {  	[tilespmem:s12], [sflag:$0x1] =	stream.linear.gather [hbm4b:s11+s2], $0x800, $0x38;
	v63 =	vld [tilespmem:$0x0]  }
0x35: {  	s14 =	simm.s32 $0x7000  }
0x36: {  	[tilespmem:s14], [sflag:$0x1] =	stream.linear.gather [hbm4b:s17+s2], $0x800, $0x38;
	v63 =	vld [tilespmem:$0x0]  }
0x37: {  	s15 =	simm.s32 $0x7800  }
0x38: {  	[tilespmem:s15], [sflag:$0x1] =	stream.linear.gather [hbm4b:s18+s2], $0x800, $0x38;
	v63 =	vld [tilespmem:$0x0]  }
0x39: {  	s16 =	simm.s32 $0x8000  }
0x3a: {  	[tilespmem:s16], [sflag:$0x1] =	stream.linear.gather [hbm4b:s19+s2], $0x800, $0x38;
	v63 =	vld [tilespmem:$0x0]  }
0x3b: {  	s11 =	simm.s32 $0x8800  }
0x3c: {  	[tilespmem:s11], [sflag:$0x1] =	stream.linear.gather [hbm4b:s20+s2], $0x800, $0x38;
	v63 =	vld [tilespmem:$0x0]  }
0x3d: {  	s12 =	simm.s32 $0x9000  }
0x3e: {  	[tilespmem:s12], [sflag:$0x1] =	stream.linear.gather [hbm4b:s21+s2], $0x800, $0x38;
	v63 =	vld [tilespmem:$0x0]  }
0x3f: {  	s14 =	simm.s32 $0x9800  }
0x40: {  	[tilespmem:s14], [sflag:$0x1] =	stream.linear.gather [hbm4b:s22+s2], $0x800, $0x38;
	v63 =	vld [tilespmem:$0x0]  }
0x41: {  	s15 =	simm.s32 $0xA000  }
0x42: {  	[tilespmem:s15], [sflag:$0x1] =	stream.linear.gather [hbm4b:s23+s2], $0x800, $0x38;
	v63 =	vld [tilespmem:$0x0]  }
0x43: {  	s16 =	simm.s32 $0xA800  }
0x44: {  	[tilespmem:s16], [sflag:$0x1] =	stream.linear.gather [hbm4b:s24+s2], $0x800, $0x38;
	v63 =	vld [tilespmem:$0x0]  }
0x45: {  	s11 =	simm.s32 $0xB000  }
0x46: {  	[tilespmem:s11], [sflag:$0x1] =	stream.linear.gather [hbm4b:s25+s2], $0x800, $0x38;
	v63 =	vld [tilespmem:$0x0]  }
0x47: {  	s12 =	simm.s32 $0xB800  }
0x48: {  	[tilespmem:s12], [sflag:$0x1] =	stream.linear.gather [hbm4b:s26+s2], $0x800, $0x38;
	v63 =	vld [tilespmem:$0x0]  }
0x49: {  	s14 =	simm.s32 $0xC000  }
0x4a: {  	[tilespmem:s14], [sflag:$0x1] =	stream.linear.gather [hbm4b:s28+s2], $0x800, $0x38;
	v63 =	vld [tilespmem:$0x0]  }
0x4b: {  	s15 =	simm.s32 $0xC800  }
0x4c: {  	[tilespmem:s15], [sflag:$0x1] =	stream.linear.gather [hbm4b:s29+s2], $0x800, $0x38;
	v63 =	vld [tilespmem:$0x0]  }
0x4d: {  	s16 =	simm.s32 $0xD000  }
0x4e: {  	[tilespmem:s16], [sflag:$0x1] =	stream.linear.gather [hbm4b:s30+s2], $0x800, $0x38;
	v63 =	vld [tilespmem:$0x0]  }
0x4f: {  	s11 =	simm.s32 $0xD800  }
0x50: {  	[tilespmem:s11], [sflag:$0x1] =	stream.linear.gather [hbm4b:s31+s2], $0x800, $0x38;
	v63 =	vld [tilespmem:$0x0]  }
0x51: {  	s12 =	simm.s32 $0xE000  }
0x52: {  	[tilespmem:s12], [sflag:$0x1] =	stream.linear.gather [hbm4b:s0+s2], $0x800, $0x38;
	v63 =	vld [tilespmem:$0x0]  }
0x53: {  	s14 =	simm.s32 $0xE800  }
0x54: {  	[tilespmem:s14], [sflag:$0x1] =	stream.linear.gather [hbm4b:s1+s2], $0x800, $0x38;
	v63 =	vld [tilespmem:$0x0]  }
0x55: {  	s6 =	smov.u32 s13;
	s15 =	simm.s32 $0xF000  }
0x56: {  	[tilespmem:s15], [sflag:$0x1] =	stream.linear.gather [hbm4b:s3+s2], $0x800, $0x38;
	v63 =	vld [tilespmem:$0x0]  }
0x57: {  	s16 =	simm.s32 $0xF800;
	s11 =	simm.s32 $0xE;
	s12 =	simm.s32 $0x10000  }
0x58: {  	[tilespmem:s16], [sflag:$0x1] =	stream.linear.gather [hbm4b:s4+s2], $0x800, $0x38;
	v63 =	vld [tilespmem:$0x0]  }
.LBB2_2:
0x59: {  	s14 =	sadd.s32 $0xFFFFFFF2, s11  }
0x5a: {  	v5 =	vmov s14  }
0x5b: {  	v16 =	vshll.u32 v5, $0x7  }
0x5c: {  	v5 =	vor.u32 v0, v16  }
0x5d: {  	v6 =	vor.u32 $0x1, v5  }
0x5e: {  	_ =	swait.ge [sflag:s7], $0x800;
	v7 =	vor.u32 $0x2, v5  }
0x5f: {  	[sflag:s7] =	ssyncset.done $0x0;
	v8 =	vor.u32 $0x3, v5  }
0x60: {  	[sflag:s7] =	ssyncadd.s32 $0xFFFFF800;
	v9 =	vor.u32 $0x4, v5  }
0x61: {  	v10 =	vor.u32 $0x5, v5;
	v15 =	vld.idx.msk [tilespmem:v5+s2+$0x0], $0xffff  }
0x62: {  	v14 =	vld.idx.msk [tilespmem:v6+s2+$0x0], $0xffff;
	v6 =	vor.u32 $0x6, v5  }
0x63: {  	v13 =	vld.idx.msk [tilespmem:v7+s2+$0x0], $0xffff;
	v7 =	vor.u32 $0x7, v5  }
0x64: {  	v17 =	vor.u32 $0x8, v5;
	v12 =	vld.idx.msk [tilespmem:v8+s2+$0x0], $0xffff  }
0x65: {  	v18 =	vor.u32 $0x9, v5;
	v11 =	vld.idx.msk [tilespmem:v9+s2+$0x0], $0xffff  }
0x66: {  	v10 =	vld.idx.msk [tilespmem:v10+s2+$0x0], $0xffff  }
0x67: {  	v44 =	vld.idx.msk [tilespmem:v6+s2+$0x0], $0xffff  }
0x68: {  	v45 =	vld.idx.msk [tilespmem:v7+s2+$0x0], $0xffff  }
0x69: {  	v7 =	vld.idx.msk [tilespmem:v17+s2+$0x0], $0xffff  }
0x6a: {  	v6 =	vld.idx.msk [tilespmem:v18+s2+$0x0], $0xffff;
	[tilespmem:s12+$0x0] =	vst v2  }
0x6b: {  	[tilespmem:s12+$0x10] =	vst v2  }
0x6c: {  	[tilespmem:s12+$0x20] =	vst v2  }
0x6d: {  	[tilespmem:s12+$0x30] =	vst v2  }
0x6e: {  	[tilespmem:s12+$0x40] =	vst v2  }
0x6f: {  	[tilespmem:s12+$0x80] =	vst v2  }
0x70: {  	[tilespmem:s12+$0x90] =	vst v2  }
0x71: {  	[tilespmem:s12+$0xA0] =	vst v2  }
0x72: {  	[tilespmem:s12+$0xB0] =	vst v2  }
0x73: {  	[tilespmem:s12+$0xC0] =	vst v2  }
0x74: {  	[tilespmem:s12+$0x100] =	vst v2  }
0x75: {  	[tilespmem:s12+$0x110] =	vst v2  }
0x76: {  	[tilespmem:s12+$0x120] =	vst v2  }
0x77: {  	[tilespmem:s12+$0x130] =	vst v2  }
0x78: {  	[tilespmem:s12+$0x140] =	vst v2  }
0x79: {  	[tilespmem:s12+$0x180] =	vst v2  }
0x7a: {  	[tilespmem:s12+$0x190] =	vst v2  }
0x7b: {  	[tilespmem:s12+$0x1A0] =	vst v2  }
0x7c: {  	[tilespmem:s12+$0x1B0] =	vst v2  }
0x7d: {  	[tilespmem:s12+$0x1C0] =	vst v2  }
0x7e: {  	[tilespmem:s12+$0x200] =	vst v2  }
0x7f: {  	[tilespmem:s12+$0x210] =	vst v2  }
0x80: {  	[tilespmem:s12+$0x220] =	vst v2  }
0x81: {  	[tilespmem:s12+$0x230] =	vst v2  }
0x82: {  	[tilespmem:s12+$0x240] =	vst v2  }
0x83: {  	[tilespmem:s12+$0x280] =	vst v2  }
0x84: {  	[tilespmem:s12+$0x290] =	vst v2  }
0x85: {  	[tilespmem:s12+$0x2A0] =	vst v2  }
0x86: {  	[tilespmem:s12+$0x2B0] =	vst v2  }
0x87: {  	[tilespmem:s12+$0x2C0] =	vst v2  }
0x88: {  	[tilespmem:s12+$0x300] =	vst v2  }
0x89: {  	[tilespmem:s12+$0x310] =	vst v2  }
0x8a: {  	[tilespmem:s12+$0x320] =	vst v2  }
0x8b: {  	[tilespmem:s12+$0x330] =	vst v2  }
0x8c: {  	[tilespmem:s12+$0x340] =	vst v2  }
0x8d: {  	[tilespmem:s12+$0x380] =	vst v2  }
0x8e: {  	[tilespmem:s12+$0x390] =	vst v2  }
0x8f: {  	[tilespmem:s12+$0x3A0] =	vst v2  }
0x90: {  	[tilespmem:s12+$0x3B0] =	vst v2  }
0x91: {  	[tilespmem:s12+$0x3C0] =	vst v2  }
0x92: {  	[tilespmem:s12+$0x400] =	vst v2  }
0x93: {  	[tilespmem:s12+$0x410] =	vst v2  }
0x94: {  	[tilespmem:s12+$0x420] =	vst v2  }
0x95: {  	[tilespmem:s12+$0x430] =	vst v2  }
0x96: {  	[tilespmem:s12+$0x440] =	vst v2  }
0x97: {  	[tilespmem:s12+$0x480] =	vst v2  }
0x98: {  	[tilespmem:s12+$0x490] =	vst v2  }
0x99: {  	[tilespmem:s12+$0x4A0] =	vst v2  }
0x9a: {  	[tilespmem:s12+$0x4B0] =	vst v2  }
0x9b: {  	[tilespmem:s12+$0x4C0] =	vst v2  }
0x9c: {  	[tilespmem:s12+$0x500] =	vst v2  }
0x9d: {  	[tilespmem:s12+$0x510] =	vst v2  }
0x9e: {  	[tilespmem:s12+$0x520] =	vst v2  }
0x9f: {  	[tilespmem:s12+$0x530] =	vst v2  }
0xa0: {  	[tilespmem:s12+$0x540] =	vst v2  }
0xa1: {  	[tilespmem:s12+$0x580] =	vst v2  }
0xa2: {  	[tilespmem:s12+$0x590] =	vst v2  }
0xa3: {  	[tilespmem:s12+$0x5A0] =	vst v2  }
0xa4: {  	[tilespmem:s12+$0x5B0] =	vst v2  }
0xa5: {  	[tilespmem:s12+$0x5C0] =	vst v2  }
0xa6: {  	[tilespmem:s12+$0x600] =	vst v2  }
0xa7: {  	[tilespmem:s12+$0x610] =	vst v2  }
0xa8: {  	[tilespmem:s12+$0x620] =	vst v2  }
0xa9: {  	[tilespmem:s12+$0x630] =	vst v2  }
0xaa: {  	[tilespmem:s12+$0x640] =	vst v2  }
0xab: {  	[tilespmem:s12+$0x680] =	vst v2  }
0xac: {  	[tilespmem:s12+$0x690] =	vst v2  }
0xad: {  	[tilespmem:s12+$0x6A0] =	vst v2  }
0xae: {  	s15 =	sadd.s32 $0xFFFFFFF6, s11;
	s16 =	sadd.s32 $0xFFFFFFF8, s11;
	[tilespmem:s12+$0x6B0] =	vst v2  }
0xaf: {  	v24 =	vmov s11;
	s14 =	sadd.s32 $0xFFFFFFF4, s11;
	v47 =	vmov s15;
	v19 =	vmov s16;
	[tilespmem:s12+$0x6C0] =	vst v2  }
0xb0: {  	s15 =	sadd.s32 $0xFFFFFFFC, s11;
	s16 =	sadd.s32 $0xFFFFFFFE, s11;
	v48 =	vshll.u32 v24, $0x7;
	v46 =	vmov s14;
	v19 =	vshll.u32 v19, $0x7;
	[tilespmem:s12+$0x700] =	vst v2  }
0xb1: {  	s14 =	sadd.s32 $0xFFFFFFFA, s11;
	v21 =	vmov s15;
	v22 =	vmov s16;
	v16 =	vor.u32 v1, v16;
	[tilespmem:s12+$0x710] =	vst v2  }
0xb2: {  	v19 =	vor.u32 v1, v19;
	v20 =	vmov s14;
	v21 =	vshll.u32 v21, $0x7;
	[tilespmem:s12+$0x720] =	vst v2  }
0xb3: {  	v22 =	vshll.u32 v22, $0x7;
	v16 =	vor.u32 v3, v16;
	v19 =	vor.u32 v3, v19;
	[tilespmem:s12+$0x730] =	vst v2  }
0xb4: {  	v20 =	vshll.u32 v20, $0x7;
	v21 =	vor.u32 v1, v21;
	v17 =	vshll.u32 v46, $0x7;
	[tilespmem:s12+$0x740] =	vst v2  }
0xb5: {  	v22 =	vor.u32 v1, v22;
	v18 =	vshll.u32 v47, $0x7;
	[tilespmem:s12+$0x780] =	vst v2;
	v17 =	vor.u32 v1, v17  }
0xb6: {  	v20 =	vor.u32 v1, v20;
	[tilespmem:s12+$0x790] =	vst v2;
	v18 =	vor.u32 v1, v18;
	v17 =	vor.u32 v3, v17  }
0xb7: {  	v21 =	vor.u32 v3, v21;
	v22 =	vor.u32 v3, v22;
	[tilespmem:s12+$0x7A0] =	vst v2;
	v18 =	vor.u32 v3, v18  }
0xb8: {  	v20 =	vor.u32 v3, v20;
	v23 =	vand.u32 $0xFFFFFF80, v15;
	v15 =	vand.u32 $0x7F, v15;
	[tilespmem:s12+$0x7B0] =	vst v2  }
0xb9: {  	[tilespmem:s12+$0x7C0] =	vst v2;
	v23 =	vadd.s32 v5, v23;
	v49 =	vand.u32 $0xFFFFFF80, v14;
	v14 =	vand.u32 $0x7F, v14  }
0xba: {  	v51 =	vand.u32 $0xFFFFFF80, v13;
	v13 =	vand.u32 $0x7F, v13;
	v52 =	vand.u32 $0xFFFFFF80, v12;
	[tilespmem:v16+s8+$0x0] =	vst.idx.msk $0xffff, v2  }
0xbb: {  	v12 =	vand.u32 $0x7F, v12;
	v54 =	vand.u32 $0xFFFFFF80, v11;
	v16 =	vor.u32 v1, v48;
	[tilespmem:v17+s8+$0x0] =	vst.idx.msk $0xffff, v2  }
0xbc: {  	v11 =	vand.u32 $0x7F, v11;
	v15 =	vor.u32 v15, v23;
	v16 =	vor.u32 v3, v16;
	[tilespmem:v18+s8+$0x0] =	vst.idx.msk $0xffff, v2  }
0xbd: {  	v55 =	vand.u32 $0xFFFFFF80, v10;
	v50 =	vadd.s32 v5, v49;
	v53 =	vadd.s32 v5, v52;
	[tilespmem:v19+s8+$0x0] =	vst.idx.msk $0xffff, v2  }
0xbe: {  	v10 =	vand.u32 $0x7F, v10;
	v14 =	vor.u32 v14, v50;
	v17 =	vadd.s32 v5, v51;
	[tilespmem:v20+s8+$0x0] =	vst.idx.msk $0xffff, v2  }
0xbf: {  	v12 =	vor.u32 v12, v53;
	v56 =	vand.u32 $0xFFFFFF80, v44;
	v13 =	vor.u32 v13, v17;
	[tilespmem:v21+s8+$0x0] =	vst.idx.msk $0xffff, v2  }
0xc0: {  	v9 =	vand.u32 $0x7F, v44;
	v57 =	vand.u32 $0xFFFFFF80, v45;
	v18 =	vadd.s32 v5, v54;
	[tilespmem:v22+s8+$0x0] =	vst.idx.msk $0xffff, v2  }
0xc1: {  	v8 =	vand.u32 $0x7F, v45;
	v19 =	vadd.s32 v5, v55;
	v11 =	vor.u32 v11, v18;
	[tilespmem:v16+s8+$0x0] =	vst.idx.msk $0xffff, v2  }
0xc2: {  	v60 =	vand.u32 $0xFFFFFF80, v7;
	v58 =	vadd.s32 v5, v56;
	v10 =	vor.u32 v10, v19;
	[tilespmem:v15+s8+$0x0] =	vst.idx.add.f32.msk $0xffff, v4  }
0xc3: {  	v7 =	vand.u32 $0x7F, v7;
	v59 =	vadd.s32 v5, v57;
	v9 =	vor.u32 v9, v58;
	[tilespmem:v14+s8+$0x0] =	vst.idx.add.f32.msk $0xffff, v4  }
0xc4: {  	v62 =	vand.u32 $0xFFFFFF80, v6;
	v61 =	vadd.s32 v5, v60;
	v8 =	vor.u32 v8, v59;
	[tilespmem:v13+s8+$0x0] =	vst.idx.add.f32.msk $0xffff, v4  }
0xc5: {  	v6 =	vand.u32 $0x7F, v6;
	v7 =	vor.u32 v7, v61;
	v5 =	vadd.s32 v5, v62;
	[tilespmem:v12+s8+$0x0] =	vst.idx.add.f32.msk $0xffff, v4  }
0xc6: {  	v5 =	vor.u32 v6, v5;
	[tilespmem:v11+s8+$0x0] =	vst.idx.add.f32.msk $0xffff, v4  }
0xc7: {  	[tilespmem:v10+s8+$0x0] =	vst.idx.add.f32.msk $0xffff, v4  }
0xc8: {  	p0 =	sne.s32 s11, $0x1FE;
	[tilespmem:v9+s8+$0x0] =	vst.idx.add.f32.msk $0xffff, v4  }
.Ltmp0:
0xc9: {  	[tilespmem:v8+s8+$0x0] =	vst.idx.add.f32.msk $0xffff, v4;
	(pc) =	sbr.rel @p0 .LBB2_2-.Ltmp0, $4  }
0xca: {  	[tilespmem:v7+s8+$0x0] =	vst.idx.add.f32.msk $0xffff, v4  }
0xcb: {  	[tilespmem:v5+s8+$0x0] =	vst.idx.add.f32.msk $0xffff, v4  }
0xcc: {  	[hbm4b:s6+s2] =	stream.linear.scatter [tilespmem:s12], [sflag:$0x2], $0x800, $0x38;
	v63 =	vld [tilespmem:$0x0]  }
0xcd: {  	s11 =	sadd.s32 $0x10, s11;
	s6 =	sadd.s32 $0x100, s6;
	s12 =	sadd.s32 $0x800, s12  }
0xce: {  	s10 =	sadd.s32 $0x1, s10  }
0xcf: {  	p0 =	sne.s32 s10, s5  }
.Ltmp1:
0xd0: {  	_ = 	snop;
	(pc) =	sbr.rel @p0 .LBB2_1-.Ltmp1, $4  }
0xd1: {  	_ = 	snop  }
0xd2: {  	_ =	swait.ge [sflag:s9], $0x10000  }
0xd3: {  	[sflag:s9] =	ssyncset.done $0x0  }
0xd4: {  	[sflag:s9] =	ssyncadd.s32 $0xFFFF0000  }
0xd5: {  	_ =	sfence.sel $0x180000  }
0xd6: {  	[bflag:$0x0] =	sbarrier.arrive $0xFFFF  }
0xd7: {  	_ =	strace $0x90000047  }
0xd8: {  	s0 =	stileid.u32;
	[bflag:$0x2] =	sbarrier.arrive $0xFFFF  }
0xd9: {  	p0 =	sne.s32 s0, $0x0;
	s0 =	rddreg [dreg:$0x1]  }
0xda: {  	s0 =	sadd.s32 @!p0 $0x100000, s0  }
0xdb: {  	[sflag:s0] =	ssyncadd.tile.s32 @!p0 $0x1;
	_ =	shalt  }
.Lfunc_end2:
_tile_overlayer_lowered:
.L_overlay_start_2:
0xdc: {  	(tag) =	ssettag $0x2  }
0xdd: {  	s0 =	rddreg [dreg:$0x0];
	s2 =	stileid.u32  }
0xde: {  	s1 =	rddreg [dreg:$0x1];
	p0 =	sne.s32 s2, $0x0  }
0xdf: {  	s3 =	rddreg [dreg:$0x2];
	[bflag:$0x3] =	sbarrier.arrive $0xFFFF;
	s2 =	simm.s32 @!p0 $0x1C03  }
0xe0: {  	[timem:s3], [sflag:s2] =	dma.local @!p0 [hbm:s0], s1  }
0xe1: {  	s0 =	simm.s32 @!p0 $0x3  }
0xe2: {  	_ =	swait.ge @!p0 [sflag:s0], s1  }
0xe3: {  	s1 =	ssub.s32 @!p0 $0x0, s1;
	[sflag:s0] =	ssyncset.done @!p0 $0x0  }
0xe4: {  	[sflag:s0] =	ssyncadd.s32 @!p0 s1  }
0xe5: {  	[bflag:$0x3] =	sbarrier.arrive $0xFFFF  }
0xe6: {  	_ =	shalt  }

</sc_bundles>
